<compile_context>
chip_gen: v7x
topology: tpu7x:2x2x1
jax: 0.10.2.dev20260603
libtpu: 0.0.44.dev20260713+nightly
codegen_flags: <defaults>
</compile_context>

<pallas_src>
import functools

import jax
import jax.numpy as jnp
from jax import lax
from jax.experimental import pallas as pl
from jax.experimental.pallas import tpu as pltpu
from jax.experimental.pallas import tpu_sc as plsc

N_NODES = 10000
N_EDGES = 320000
NODE = 128
EDGE_F = 16
HID = 32
LANES = 16

NC, NS = 2, 16
NW = NC * NS
PER_W = N_EDGES // NW
SUP = 80
NSUP = PER_W // SUP
RS = SUP // 8
ROWS_W = PER_W // 8

_F32 = jnp.float32
_HIGH = lax.Precision.HIGHEST


def _dot(a, b):
    return lax.dot_general(a, b, (((1,), (0,)), ((), ())),
                           precision=_HIGH, preferred_element_type=_F32)


def _dot16(a, b):
    return lax.dot_general(a, b, (((1,), (0,)), ((), ())),
                           preferred_element_type=_F32)


P_BLK = 1000


def _proj_body(x_ref, w1_ref, t_ref, sx_ref):
    xb = x_ref[...]
    xb16 = xb.astype(jnp.bfloat16)
    p1 = _dot16(xb16, w1_ref[0:NODE, :].astype(jnp.bfloat16))
    p2 = _dot16(xb16, w1_ref[NODE:2 * NODE, :].astype(jnp.bfloat16))
    t_ref[...] = jnp.concatenate(
        [p1, p2, jnp.zeros((P_BLK, NODE - 2 * HID), _F32)], axis=1)

    @pl.when(pl.program_id(0) == 0)
    def _init():
        sx_ref[...] = jnp.zeros_like(sx_ref)

    sx_ref[...] += jnp.sum(xb, axis=0, keepdims=True)


_proj_call = pl.pallas_call(
    _proj_body,
    grid=(N_NODES // P_BLK,),
    in_specs=[
        pl.BlockSpec((P_BLK, NODE), lambda i: (i, 0)),
        pl.BlockSpec((2 * NODE, HID), lambda i: (0, 0)),
    ],
    out_specs=[
        pl.BlockSpec((P_BLK, NODE), lambda i: (i, 0)),
        pl.BlockSpec((1, NODE), lambda i: (0, 0)),
    ],
    out_shape=[
        jax.ShapeDtypeStruct((N_NODES, NODE), _F32),
        jax.ShapeDtypeStruct((1, NODE), _F32),
    ],
)


SUPW = RS * NODE
TOT1D = NW * ROWS_W * NODE


@functools.cache
def _make_sc_gather_add():
    mesh = plsc.VectorSubcoreMesh(
        core_axis_name="c", subcore_axis_name="s",
        num_cores=NC, num_subcores=NS)
    return functools.partial(
        pl.kernel,
        out_type=[
            jax.ShapeDtypeStruct((TOT1D,), _F32),
            jax.ShapeDtypeStruct((TOT1D,), _F32),
            jax.ShapeDtypeStruct((TOT1D,), _F32),
        ],
        mesh=mesh,
        scratch_types=[
            pltpu.VMEM((PER_W,), jnp.int32),
            pltpu.VMEM((PER_W,), jnp.int32),
            pltpu.VMEM((2, SUP, NODE), _F32),
            pltpu.VMEM((2, SUP, NODE), _F32),
            pltpu.VMEM((2, SUP, EDGE_F), _F32),
            pltpu.VMEM((2, SUPW), _F32),
            pltpu.VMEM((2, SUPW), _F32),
            pltpu.VMEM((2, SUPW), _F32),
            pltpu.SemaphoreType.DMA,
            pltpu.SemaphoreType.DMA,
            pltpu.SemaphoreType.DMA,
            pltpu.SemaphoreType.DMA,
        ],
    )(_sc_body)


def _sc_body(t_hbm, ij_hbm, ea_hbm, ga_hbm, gb_hbm, oe_hbm,
             ii_v, jj_v, a_v, b_v, ea_v, oa_v, ob_v, oe_v,
             sin0, sin1, sout0, sout1):
    cid = lax.axis_index("c")
    sid = lax.axis_index("s")
    wid = sid * NC + cid
    pltpu.sync_copy(ij_hbm.at[pl.ds(wid * PER_W, PER_W)], ii_v)
    pltpu.sync_copy(
        ij_hbm.at[pl.ds(N_EDGES + wid * PER_W, PER_W)], jj_v)

    def in_copies(ss, pb, sem):
        e0 = ss * SUP
        return (
            pltpu.make_async_copy(
                ea_hbm.at[wid, pl.ds(e0, SUP)], ea_v.at[pb], sem),
            pltpu.make_async_copy(
                t_hbm.at[ii_v.at[pl.ds(e0, SUP)]], a_v.at[pb], sem),
            pltpu.make_async_copy(
                t_hbm.at[jj_v.at[pl.ds(e0, SUP)]], b_v.at[pb], sem),
        )

    def out_copies(ss, pb, sem):
        out0 = (wid * ROWS_W + ss * RS) * NODE
        osl = pl.ds(out0, SUPW)
        return (
            pltpu.make_async_copy(oa_v.at[pb], ga_hbm.at[osl], sem),
            pltpu.make_async_copy(ob_v.at[pb], gb_hbm.at[osl], sem),
            pltpu.make_async_copy(oe_v.at[pb], oe_hbm.at[osl], sem),
        )

    for c in in_copies(0, 0, sin0):
        c.start()

    def superstep(ss, carry):
        pb = lax.rem(ss, 2)

        @pl.when(ss + 1 < NSUP)
        def _prefetch():
            @pl.when(pb == 0)
            def _():
                for c in in_copies(ss + 1, 1, sin1):
                    c.start()

            @pl.when(pb == 1)
            def _():
                for c in in_copies(ss + 1, 0, sin0):
                    c.start()

        @pl.when(pb == 0)
        def _():
            for c in in_copies(ss, 0, sin0):
                c.wait()

        @pl.when(pb == 1)
        def _():
            for c in in_copies(ss, 1, sin1):
                c.wait()

        @pl.when(jnp.logical_and(ss >= 2, pb == 0))
        def _():
            for c in out_copies(ss, 0, sout0):
                c.wait()

        @pl.when(jnp.logical_and(ss >= 2, pb == 1))
        def _():
            for c in out_copies(ss, 1, sout1):
                c.wait()

        def row(g, c2):
            for q in range(8):
                r = g * 8 + q
                o_v = oa_v if q < 4 else ob_v
                qq = q % 4
                for half in range(2):
                    sa = pl.ds(half * LANES, LANES)
                    sb = pl.ds(HID + half * LANES, LANES)
                    so = pl.ds(g * NODE + qq * HID + half * LANES, LANES)
                    o_v[pb, so] = a_v[pb, r, sa] + b_v[pb, r, sb]
                se = pl.ds(g * NODE + q * EDGE_F, LANES)
                oe_v[pb, se] = ea_v[pb, r, 0:LANES]
            return c2

        lax.fori_loop(0, RS, row, 0)

        @pl.when(pb == 0)
        def _():
            for c in out_copies(ss, 0, sout0):
                c.start()

        @pl.when(pb == 1)
        def _():
            for c in out_copies(ss, 1, sout1):
                c.start()

        return carry

    lax.fori_loop(0, NSUP, superstep, 0)
    for c in out_copies(NSUP - 2, 0, sout0):
        c.wait()
    for c in out_copies(NSUP - 1, 1, sout1):
        c.wait()


R_BLK = 2000


def _reduce_body(ga_ref, gb_ref, oe_ref, wa_ref, wb_ref, b1p_ref, sx_ref,
                 w2_ref, b2_ref, w3_ref, b3_ref, v_ref, acca_ref, accb_ref):
    i = pl.program_id(0)

    @pl.when(i == 0)
    def _init():
        acca_ref[...] = jnp.zeros_like(acca_ref)
        accb_ref[...] = jnp.zeros_like(accb_ref)

    ea = oe_ref[...].astype(jnp.bfloat16)
    wa16 = wa_ref[...].astype(jnp.bfloat16)
    wb16 = wb_ref[...].astype(jnp.bfloat16)
    pre_a = ga_ref[...] + _dot16(ea, wa16) + b1p_ref[...]
    pre_b = gb_ref[...] + _dot16(ea, wb16) + b1p_ref[...]
    h_a = jnp.maximum(pre_a, 0.0).astype(jnp.bfloat16).astype(_F32)
    h_b = jnp.maximum(pre_b, 0.0).astype(jnp.bfloat16).astype(_F32)
    acca_ref[...] += jnp.sum(h_a, axis=0, keepdims=True)
    accb_ref[...] += jnp.sum(h_b, axis=0, keepdims=True)

    @pl.when(i == pl.num_programs(0) - 1)
    def _finish():
        a = acca_ref[...] + accb_ref[...]
        sum_h = a[:, 0:HID]
        for q in range(1, 4):
            sum_h = sum_h + a[:, q * HID:(q + 1) * HID]
        w2r = w2_ref[...].astype(jnp.bfloat16).astype(_F32)
        msg = _dot(sum_h, w2r) + N_EDGES * b2_ref[...]
        w3 = w3_ref[...]
        t1 = _dot(sx_ref[...], w3[0:NODE, :])
        t2 = _dot(msg, w3[NODE:NODE + HID, :])
        v_ref[...] = t1 + t2 + b3_ref[...]


_reduce_call = pl.pallas_call(
    _reduce_body,
    grid=(NW * ROWS_W // R_BLK,),
    in_specs=[
        pl.BlockSpec((R_BLK, NODE), lambda i: (i, 0)),
        pl.BlockSpec((R_BLK, NODE), lambda i: (i, 0)),
        pl.BlockSpec((R_BLK, NODE), lambda i: (i, 0)),
        pl.BlockSpec((NODE, NODE), lambda i: (0, 0)),
        pl.BlockSpec((NODE, NODE), lambda i: (0, 0)),
        pl.BlockSpec((1, NODE), lambda i: (0, 0)),
        pl.BlockSpec((1, NODE), lambda i: (0, 0)),
        pl.BlockSpec((HID, HID), lambda i: (0, 0)),
        pl.BlockSpec((1, HID), lambda i: (0, 0)),
        pl.BlockSpec((NODE + HID, 1), lambda i: (0, 0)),
        pl.BlockSpec((1, 1), lambda i: (0, 0)),
    ],
    out_specs=pl.BlockSpec((1, 1), lambda i: (0, 0)),
    out_shape=jax.ShapeDtypeStruct((1, 1), _F32),
    scratch_shapes=[pltpu.VMEM((1, NODE), _F32), pltpu.VMEM((1, NODE), _F32)],
)


def kernel(x, edge_index, edge_attr, W1, b1, W2, b2, W3, b3):
    ij = edge_index.astype(jnp.int32).reshape(2 * N_EDGES)
    ea = edge_attr.reshape(NW, PER_W, EDGE_F)

    t, sx = _proj_call(x, W1[:2 * NODE])
    ga, gb, oe = _make_sc_gather_add()(t, ij, ea)
    ga = ga.reshape(NW * ROWS_W, NODE)
    gb = gb.reshape(NW * ROWS_W, NODE)
    oe = oe.reshape(NW * ROWS_W, NODE)

    eye8 = jnp.eye(8, dtype=_F32)
    wa = jnp.kron(eye8[:, 0:4], W1[2 * NODE:])
    wb = jnp.kron(eye8[:, 4:8], W1[2 * NODE:])
    b1p = jnp.tile(b1, 4).reshape(1, NODE)
    v = _reduce_call(ga, gb, oe, wa, wb, b1p, sx, W2, b2.reshape(1, HID),
                     W3, b3.reshape(1, 1))
    return v.reshape(1)

# --- scband reference (transcript-rebuilt; emitter-appended) ---
"""Pipeline reference for scband-critic-26938034880700 (READ-ONLY COPY).

The authoritative reference and input builder live on the scoring server;
editing this copy changes nothing except your own understanding.
"""

import jax, jax.numpy as jnp
import numpy as np

NODE_SIZE = 128
EDGE_SIZE = 16
HIDDEN = 32
OUT = 1
N_NODES = 10000
N_EDGES = 320000

def setup_inputs(seed: int = 0) -> dict:
    key = jax.random.key(seed)
    ks = jax.random.split(key, 10)
    x = jax.random.normal(ks[0], (N_NODES, NODE_SIZE), dtype=jnp.float32)
    edge_index = jax.random.randint(ks[1], (2, N_EDGES), 0, N_NODES, dtype=jnp.int64)
    edge_attr = jax.random.normal(ks[2], (N_EDGES, EDGE_SIZE), dtype=jnp.float32)
    d_in = 2 * NODE_SIZE + EDGE_SIZE
    W1 = jax.random.normal(ks[3], (d_in, HIDDEN), dtype=jnp.float32) / np.sqrt(d_in)
    b1 = jnp.zeros((HIDDEN,), dtype=jnp.float32)
    W2 = jax.random.normal(ks[4], (HIDDEN, HIDDEN), dtype=jnp.float32) / np.sqrt(HIDDEN)
    b2 = jnp.zeros((HIDDEN,), dtype=jnp.float32)
    W3 = jax.random.normal(ks[5], (NODE_SIZE + HIDDEN, OUT), dtype=jnp.float32) / np.sqrt(NODE_SIZE + HIDDEN)
    b3 = jnp.zeros((OUT,), dtype=jnp.float32)
    return {"x": x, "edge_index": edge_index, "edge_attr": edge_attr,
            "W1": W1, "b1": b1, "W2": W2, "b2": b2, "W3": W3, "b3": b3}

def reference(x, edge_index, edge_attr, W1, b1, W2, b2, W3, b3):
    # EdgeConv with aggr='add', flow='target_to_source':
    # x_i = x[edge_index[0]], x_j = x[edge_index[1]], aggregate at edge_index[0]
    idx_i = edge_index[0]
    idx_j = edge_index[1]
    x_i = jnp.take(x, idx_i, axis=0)
    x_j = jnp.take(x, idx_j, axis=0)
    tmp = jnp.concatenate([x_i, x_j, edge_attr], axis=1)
    h = jax.nn.relu(tmp @ W1 + b1)
    msg = h @ W2 + b2
    aggr = jax.ops.segment_sum(msg, idx_i, num_segments=N_NODES)
    x_pp = jnp.concatenate([x, aggr], axis=1)
    s = jnp.sum(x_pp, axis=0)
    v = s @ W3 + b3
    return v

if __name__ == "__main__":
    import jax
    _d = setup_inputs()
    print(jax.jit(kernel)(*tuple(_d.values())))

</pallas_src>

<mosaic_0001>
#map = affine_map<(d0, d1) -> (0, 0)>
#map1 = affine_map<(d0, d1) -> (0)>
#map2 = affine_map<(d0, d1) -> (0, 0, 0)>
module attributes {stable_mosaic.version = 14 : i64} {
  func.func @_sc_body(%arg0: i32, %arg1: i32, %arg2: memref<10000x128xf32, #tpu.memory_space<hbm>>, %arg3: memref<640000xi32, #tpu.memory_space<hbm>>, %arg4: memref<32x10000x16xf32, #tpu.memory_space<hbm>>, %arg5: memref<5120000xf32, #tpu.memory_space<hbm>>, %arg6: memref<5120000xf32, #tpu.memory_space<hbm>>, %arg7: memref<5120000xf32, #tpu.memory_space<hbm>>, %arg8: memref<10000xi32, #tpu.memory_space<vmem>>, %arg9: memref<10000xi32, #tpu.memory_space<vmem>>, %arg10: memref<2x80x128xf32, #tpu.memory_space<vmem>>, %arg11: memref<2x80x128xf32, #tpu.memory_space<vmem>>, %arg12: memref<2x80x16xf32, #tpu.memory_space<vmem>>, %arg13: memref<2x1280xf32, #tpu.memory_space<vmem>>, %arg14: memref<2x1280xf32, #tpu.memory_space<vmem>>, %arg15: memref<2x1280xf32, #tpu.memory_space<vmem>>, %arg16: memref<!tpu.dma_semaphore, #tpu.memory_space<semaphore_mem>>, %arg17: memref<!tpu.dma_semaphore, #tpu.memory_space<semaphore_mem>>, %arg18: memref<!tpu.dma_semaphore, #tpu.memory_space<semaphore_mem>>, %arg19: memref<!tpu.dma_semaphore, #tpu.memory_space<semaphore_mem>>) attributes {dimension_semantics = [#tpu.dimension_semantics<core_parallel>, #tpu.dimension_semantics<subcore_parallel>], iteration_bounds = array<i64: 2, 16>, scalar_prefetch = 0 : i64, scratch_operands = 12 : i64, tpu.core_type = #tpu.core_type<sc_vector_subcore>, window_params = [{transform_indices = #map}, {transform_indices = #map1}, {transform_indices = #map2}, {transform_indices = #map1}, {transform_indices = #map1}, {transform_indices = #map1}]} {
    %mul3A = arith.constant 2 : i32
    %mul3A_0 = arith.muli %arg1, %mul3A : i32
    %add3A = arith.addi %mul3A_0, %arg0 : i32
    %mul3A_1 = arith.constant 10000 : i32
    %mul3A_2 = arith.muli %add3A, %mul3A_1 : i32
    "tpu.region"() ({
      %run_scoped3A = tpu.sem_alloc : memref<!tpu.dma_semaphore, #tpu.memory_space<semaphore_mem>>
      %dma_start3A_113 = tpu.memref_slice %arg3[%mul3A_2] : memref<640000xi32, #tpu.memory_space<hbm>> -> memref<10000xi32, #tpu.memory_space<hbm>>
      %dma_start3A_114 = tpu.memref_slice %arg3[%mul3A_2] : memref<640000xi32, #tpu.memory_space<hbm>> -> memref<10000xi32, #tpu.memory_space<hbm>>
      tpu.enqueue_dma source(%dma_start3A_114 : memref<10000xi32, #tpu.memory_space<hbm>>) target(%arg8 : memref<10000xi32, #tpu.memory_space<vmem>>) target_semaphore(%run_scoped3A : memref<!tpu.dma_semaphore, #tpu.memory_space<semaphore_mem>>)
      %dma_wait3A_115 = tpu.memref_slice %arg3[%mul3A_2] : memref<640000xi32, #tpu.memory_space<hbm>> -> memref<10000xi32, #tpu.memory_space<hbm>>
      %dma_wait3A_116 = tpu.memref_slice %arg3[%mul3A_2] : memref<640000xi32, #tpu.memory_space<hbm>> -> memref<10000xi32, #tpu.memory_space<hbm>>
      tpu.wait_dma2 semaphore(%run_scoped3A : memref<!tpu.dma_semaphore, #tpu.memory_space<semaphore_mem>>) src(%dma_wait3A_116 : memref<10000xi32, #tpu.memory_space<hbm>>) dst(%arg8 : memref<10000xi32, #tpu.memory_space<vmem>>)
      tpu.yield
    }) : () -> ()
    %mul3A_3 = arith.constant 10000 : i32
    %mul3A_4 = arith.muli %add3A, %mul3A_3 : i32
    %add3A_5 = arith.constant 320000 : i32
    %add3A_6 = arith.addi %add3A_5, %mul3A_4 : i32
    "tpu.region"() ({
      %run_scoped3A = tpu.sem_alloc : memref<!tpu.dma_semaphore, #tpu.memory_space<semaphore_mem>>
      %dma_start3A_113 = tpu.memref_slice %arg3[%add3A_6] : memref<640000xi32, #tpu.memory_space<hbm>> -> memref<10000xi32, #tpu.memory_space<hbm>>
      %dma_start3A_114 = tpu.memref_slice %arg3[%add3A_6] : memref<640000xi32, #tpu.memory_space<hbm>> -> memref<10000xi32, #tpu.memory_space<hbm>>
      tpu.enqueue_dma source(%dma_start3A_114 : memref<10000xi32, #tpu.memory_space<hbm>>) target(%arg9 : memref<10000xi32, #tpu.memory_space<vmem>>) target_semaphore(%run_scoped3A : memref<!tpu.dma_semaphore, #tpu.memory_space<semaphore_mem>>)
      %dma_wait3A_115 = tpu.memref_slice %arg3[%add3A_6] : memref<640000xi32, #tpu.memory_space<hbm>> -> memref<10000xi32, #tpu.memory_space<hbm>>
      %dma_wait3A_116 = tpu.memref_slice %arg3[%add3A_6] : memref<640000xi32, #tpu.memory_space<hbm>> -> memref<10000xi32, #tpu.memory_space<hbm>>
      tpu.wait_dma2 semaphore(%run_scoped3A : memref<!tpu.dma_semaphore, #tpu.memory_space<semaphore_mem>>) src(%dma_wait3A_116 : memref<10000xi32, #tpu.memory_space<hbm>>) dst(%arg9 : memref<10000xi32, #tpu.memory_space<vmem>>)
      tpu.yield
    }) : () -> ()
    %dma_start3A = arith.constant 0 : i32
    %dma_start3A_7 = arith.constant 0 : i32
    %dma_start3A_8 = arith.constant 0 : i32
    %dma_start3A_9 = tpu.memref_slice %arg12[%dma_start3A, %dma_start3A_7, %dma_start3A_8] : memref<2x80x16xf32, #tpu.memory_space<vmem>> -> memref<1x80x16xf32, #tpu.memory_space<vmem>>
    %dma_start3A_10 = tpu.memref_squeeze %dma_start3A_9 : memref<1x80x16xf32, #tpu.memory_space<vmem>> -> memref<80x16xf32, #tpu.memory_space<vmem>>
    %dma_start3A_11 = arith.constant 0 : i32
    %dma_start3A_12 = arith.constant 0 : i32
    %dma_start3A_13 = tpu.memref_slice %arg4[%add3A, %dma_start3A_11, %dma_start3A_12] : memref<32x10000x16xf32, #tpu.memory_space<hbm>> -> memref<1x80x16xf32, #tpu.memory_space<hbm>>
    %dma_start3A_14 = tpu.memref_squeeze %dma_start3A_13 : memref<1x80x16xf32, #tpu.memory_space<hbm>> -> memref<80x16xf32, #tpu.memory_space<hbm>>
    %dma_start3A_15 = arith.constant 0 : i32
    %dma_start3A_16 = arith.constant 0 : i32
    %dma_start3A_17 = tpu.memref_slice %arg12[%dma_start3A, %dma_start3A_15, %dma_start3A_16] : memref<2x80x16xf32, #tpu.memory_space<vmem>> -> memref<1x80x16xf32, #tpu.memory_space<vmem>>
    %dma_start3A_18 = tpu.memref_squeeze %dma_start3A_17 : memref<1x80x16xf32, #tpu.memory_space<vmem>> -> memref<80x16xf32, #tpu.memory_space<vmem>>
    %dma_start3A_19 = arith.constant 0 : i32
    %dma_start3A_20 = arith.constant 0 : i32
    %dma_start3A_21 = tpu.memref_slice %arg4[%add3A, %dma_start3A_19, %dma_start3A_20] : memref<32x10000x16xf32, #tpu.memory_space<hbm>> -> memref<1x80x16xf32, #tpu.memory_space<hbm>>
    %dma_start3A_22 = tpu.memref_squeeze %dma_start3A_21 : memref<1x80x16xf32, #tpu.memory_space<hbm>> -> memref<80x16xf32, #tpu.memory_space<hbm>>
    tpu.enqueue_dma source(%dma_start3A_22 : memref<80x16xf32, #tpu.memory_space<hbm>>) target(%dma_start3A_18 : memref<80x16xf32, #tpu.memory_space<vmem>>) target_semaphore(%arg16 : memref<!tpu.dma_semaphore, #tpu.memory_space<semaphore_mem>>)
    %dma_start3A_23 = arith.constant 0 : i32
    %dma_start3A_24 = arith.constant 0 : i32
    %dma_start3A_25 = arith.constant 0 : i32
    %dma_start3A_26 = tpu.memref_slice %arg10[%dma_start3A_23, %dma_start3A_24, %dma_start3A_25] : memref<2x80x128xf32, #tpu.memory_space<vmem>> -> memref<1x80x128xf32, #tpu.memory_space<vmem>>
    %dma_start3A_27 = tpu.memref_squeeze %dma_start3A_26 : memref<1x80x128xf32, #tpu.memory_space<vmem>> -> memref<80x128xf32, #tpu.memory_space<vmem>>
    %dma_start3A_28 = arith.constant 0 : i32
    %dma_start3A_29 = tpu.memref_slice %arg8[%dma_start3A_28] : memref<10000xi32, #tpu.memory_space<vmem>> -> memref<80xi32, #tpu.memory_space<vmem>>
    %dma_start3A_30 = arith.constant 0 : i32
    %dma_start3A_31 = arith.constant 0 : i32
    %dma_start3A_32 = tpu.memref_slice %arg2[%dma_start3A_30, %dma_start3A_31] : memref<10000x128xf32, #tpu.memory_space<hbm>> -> memref<10000x128xf32, #tpu.memory_space<hbm>>
    tpu.enqueue_indirect_dma source(%dma_start3A_32 : memref<10000x128xf32, #tpu.memory_space<hbm>>) target(%dma_start3A_27 : memref<80x128xf32, #tpu.memory_space<vmem>>) offsets(%dma_start3A_29 : memref<80xi32, #tpu.memory_space<vmem>>) semaphore(%arg16 : memref<!tpu.dma_semaphore, #tpu.memory_space<semaphore_mem>>)
    %dma_start3A_33 = arith.constant 0 : i32
    %dma_start3A_34 = arith.constant 0 : i32
    %dma_start3A_35 = arith.constant 0 : i32
    %dma_start3A_36 = tpu.memref_slice %arg11[%dma_start3A_33, %dma_start3A_34, %dma_start3A_35] : memref<2x80x128xf32, #tpu.memory_space<vmem>> -> memref<1x80x128xf32, #tpu.memory_space<vmem>>
    %dma_start3A_37 = tpu.memref_squeeze %dma_start3A_36 : memref<1x80x128xf32, #tpu.memory_space<vmem>> -> memref<80x128xf32, #tpu.memory_space<vmem>>
    %dma_start3A_38 = arith.constant 0 : i32
    %dma_start3A_39 = tpu.memref_slice %arg9[%dma_start3A_38] : memref<10000xi32, #tpu.memory_space<vmem>> -> memref<80xi32, #tpu.memory_space<vmem>>
    %dma_start3A_40 = arith.constant 0 : i32
    %dma_start3A_41 = arith.constant 0 : i32
    %dma_start3A_42 = tpu.memref_slice %arg2[%dma_start3A_40, %dma_start3A_41] : memref<10000x128xf32, #tpu.memory_space<hbm>> -> memref<10000x128xf32, #tpu.memory_space<hbm>>
    tpu.enqueue_indirect_dma source(%dma_start3A_42 : memref<10000x128xf32, #tpu.memory_space<hbm>>) target(%dma_start3A_37 : memref<80x128xf32, #tpu.memory_space<vmem>>) offsets(%dma_start3A_39 : memref<80xi32, #tpu.memory_space<vmem>>) semaphore(%arg16 : memref<!tpu.dma_semaphore, #tpu.memory_space<semaphore_mem>>)
    %scan3A = arith.constant 0 : i32
    %scan3A_43 = arith.constant 0 : i32
    %scan3A_44 = arith.constant 125 : i32
    %scan3A_45 = arith.addi %scan3A_43, %scan3A_44 : i32
    %scan3A_46 = arith.constant 1 : i32
    scf.for %scan3A_113 = %scan3A_43 to %scan3A_45 step %scan3A_46  : i32 {
      %rem3A = arith.constant 2 : i32
      %rem3A_114 = arith.remsi %scan3A_113, %rem3A : i32
      %add3A_115 = arith.constant 1 : i32
      %add3A_116 = arith.addi %scan3A_113, %add3A_115 : i32
      %lt3A = arith.constant 125 : i32
      %lt3A_117 = arith.cmpi slt, %add3A_116, %lt3A : i32
      %convert_element_type3A = arith.extui %lt3A_117 : i1 to i32
      %cond3A = arith.constant 0 : i32
      %cond3A_118 = arith.cmpi ne, %convert_element_type3A, %cond3A : i32
      scf.if %cond3A_118 {
        %eq3A_158 = arith.constant 0 : i32
        %eq3A_159 = arith.cmpi eq, %rem3A_114, %eq3A_158 : i32
        %convert_element_type3A_160 = arith.extui %eq3A_159 : i1 to i32
        %cond3A_161 = arith.constant 0 : i32
        %cond3A_162 = arith.cmpi ne, %convert_element_type3A_160, %cond3A_161 : i32
        scf.if %cond3A_162 {
          %add3A_168 = arith.constant 1 : i32
          %add3A_169 = arith.addi %scan3A_113, %add3A_168 : i32
          %mul3A_170 = arith.constant 80 : i32
          %mul3A_171 = arith.muli %add3A_169, %mul3A_170 : i32
          %dma_start3A_172 = arith.constant 1 : i32
          %dma_start3A_173 = arith.constant 0 : i32
          %dma_start3A_174 = arith.constant 0 : i32
          %dma_start3A_175 = tpu.memref_slice %arg12[%dma_start3A_172, %dma_start3A_173, %dma_start3A_174] : memref<2x80x16xf32, #tpu.memory_space<vmem>> -> memref<1x80x16xf32, #tpu.memory_space<vmem>>
          %dma_start3A_176 = tpu.memref_squeeze %dma_start3A_175 : memref<1x80x16xf32, #tpu.memory_space<vmem>> -> memref<80x16xf32, #tpu.memory_space<vmem>>
          %dma_start3A_177 = arith.constant 0 : i32
          %dma_start3A_178 = tpu.memref_slice %arg4[%add3A, %mul3A_171, %dma_start3A_177] : memref<32x10000x16xf32, #tpu.memory_space<hbm>> -> memref<1x80x16xf32, #tpu.memory_space<hbm>>
          %dma_start3A_179 = tpu.memref_squeeze %dma_start3A_178 : memref<1x80x16xf32, #tpu.memory_space<hbm>> -> memref<80x16xf32, #tpu.memory_space<hbm>>
          %dma_start3A_180 = arith.constant 0 : i32
          %dma_start3A_181 = arith.constant 0 : i32
          %dma_start3A_182 = tpu.memref_slice %arg12[%dma_start3A_172, %dma_start3A_180, %dma_start3A_181] : memref<2x80x16xf32, #tpu.memory_space<vmem>> -> memref<1x80x16xf32, #tpu.memory_space<vmem>>
          %dma_start3A_183 = tpu.memref_squeeze %dma_start3A_182 : memref<1x80x16xf32, #tpu.memory_space<vmem>> -> memref<80x16xf32, #tpu.memory_space<vmem>>
          %dma_start3A_184 = arith.constant 0 : i32
          %dma_start3A_185 = tpu.memref_slice %arg4[%add3A, %mul3A_171, %dma_start3A_184] : memref<32x10000x16xf32, #tpu.memory_space<hbm>> -> memref<1x80x16xf32, #tpu.memory_space<hbm>>
          %dma_start3A_186 = tpu.memref_squeeze %dma_start3A_185 : memref<1x80x16xf32, #tpu.memory_space<hbm>> -> memref<80x16xf32, #tpu.memory_space<hbm>>
          tpu.enqueue_dma source(%dma_start3A_186 : memref<80x16xf32, #tpu.memory_space<hbm>>) target(%dma_start3A_183 : memref<80x16xf32, #tpu.memory_space<vmem>>) target_semaphore(%arg17 : memref<!tpu.dma_semaphore, #tpu.memory_space<semaphore_mem>>)
          %dma_start3A_187 = arith.constant 1 : i32
          %dma_start3A_188 = arith.constant 0 : i32
          %dma_start3A_189 = arith.constant 0 : i32
          %dma_start3A_190 = tpu.memref_slice %arg10[%dma_start3A_187, %dma_start3A_188, %dma_start3A_189] : memref<2x80x128xf32, #tpu.memory_space<vmem>> -> memref<1x80x128xf32, #tpu.memory_space<vmem>>
          %dma_start3A_191 = tpu.memref_squeeze %dma_start3A_190 : memref<1x80x128xf32, #tpu.memory_space<vmem>> -> memref<80x128xf32, #tpu.memory_space<vmem>>
          %dma_start3A_192 = tpu.memref_slice %arg8[%mul3A_171] : memref<10000xi32, #tpu.memory_space<vmem>> -> memref<80xi32, #tpu.memory_space<vmem>>
          %dma_start3A_193 = arith.constant 0 : i32
          %dma_start3A_194 = arith.constant 0 : i32
          %dma_start3A_195 = tpu.memref_slice %arg2[%dma_start3A_193, %dma_start3A_194] : memref<10000x128xf32, #tpu.memory_space<hbm>> -> memref<10000x128xf32, #tpu.memory_space<hbm>>
          tpu.enqueue_indirect_dma source(%dma_start3A_195 : memref<10000x128xf32, #tpu.memory_space<hbm>>) target(%dma_start3A_191 : memref<80x128xf32, #tpu.memory_space<vmem>>) offsets(%dma_start3A_192 : memref<80xi32, #tpu.memory_space<vmem>>) semaphore(%arg17 : memref<!tpu.dma_semaphore, #tpu.memory_space<semaphore_mem>>)
          %dma_start3A_196 = arith.constant 1 : i32
          %dma_start3A_197 = arith.constant 0 : i32
          %dma_start3A_198 = arith.constant 0 : i32
          %dma_start3A_199 = tpu.memref_slice %arg11[%dma_start3A_196, %dma_start3A_197, %dma_start3A_198] : memref<2x80x128xf32, #tpu.memory_space<vmem>> -> memref<1x80x128xf32, #tpu.memory_space<vmem>>
          %dma_start3A_200 = tpu.memref_squeeze %dma_start3A_199 : memref<1x80x128xf32, #tpu.memory_space<vmem>> -> memref<80x128xf32, #tpu.memory_space<vmem>>
          %dma_start3A_201 = tpu.memref_slice %arg9[%mul3A_171] : memref<10000xi32, #tpu.memory_space<vmem>> -> memref<80xi32, #tpu.memory_space<vmem>>
          %dma_start3A_202 = arith.constant 0 : i32
          %dma_start3A_203 = arith.constant 0 : i32
          %dma_start3A_204 = tpu.memref_slice %arg2[%dma_start3A_202, %dma_start3A_203] : memref<10000x128xf32, #tpu.memory_space<hbm>> -> memref<10000x128xf32, #tpu.memory_space<hbm>>
          tpu.enqueue_indirect_dma source(%dma_start3A_204 : memref<10000x128xf32, #tpu.memory_space<hbm>>) target(%dma_start3A_200 : memref<80x128xf32, #tpu.memory_space<vmem>>) offsets(%dma_start3A_201 : memref<80xi32, #tpu.memory_space<vmem>>) semaphore(%arg17 : memref<!tpu.dma_semaphore, #tpu.memory_space<semaphore_mem>>)
        } else {
        }
        %eq3A_163 = arith.constant 1 : i32
        %eq3A_164 = arith.cmpi eq, %rem3A_114, %eq3A_163 : i32
        %convert_element_type3A_165 = arith.extui %eq3A_164 : i1 to i32
        %cond3A_166 = arith.constant 0 : i32
        %cond3A_167 = arith.cmpi ne, %convert_element_type3A_165, %cond3A_166 : i32
        scf.if %cond3A_167 {
          %add3A_168 = arith.constant 1 : i32
          %add3A_169 = arith.addi %scan3A_113, %add3A_168 : i32
          %mul3A_170 = arith.constant 80 : i32
          %mul3A_171 = arith.muli %add3A_169, %mul3A_170 : i32
          %dma_start3A_172 = arith.constant 0 : i32
          %dma_start3A_173 = arith.constant 0 : i32
          %dma_start3A_174 = arith.constant 0 : i32
          %dma_start3A_175 = tpu.memref_slice %arg12[%dma_start3A_172, %dma_start3A_173, %dma_start3A_174] : memref<2x80x16xf32, #tpu.memory_space<vmem>> -> memref<1x80x16xf32, #tpu.memory_space<vmem>>
          %dma_start3A_176 = tpu.memref_squeeze %dma_start3A_175 : memref<1x80x16xf32, #tpu.memory_space<vmem>> -> memref<80x16xf32, #tpu.memory_space<vmem>>
          %dma_start3A_177 = arith.constant 0 : i32
          %dma_start3A_178 = tpu.memref_slice %arg4[%add3A, %mul3A_171, %dma_start3A_177] : memref<32x10000x16xf32, #tpu.memory_space<hbm>> -> memref<1x80x16xf32, #tpu.memory_space<hbm>>
          %dma_start3A_179 = tpu.memref_squeeze %dma_start3A_178 : memref<1x80x16xf32, #tpu.memory_space<hbm>> -> memref<80x16xf32, #tpu.memory_space<hbm>>
          %dma_start3A_180 = arith.constant 0 : i32
          %dma_start3A_181 = arith.constant 0 : i32
          %dma_start3A_182 = tpu.memref_slice %arg12[%dma_start3A_172, %dma_start3A_180, %dma_start3A_181] : memref<2x80x16xf32, #tpu.memory_space<vmem>> -> memref<1x80x16xf32, #tpu.memory_space<vmem>>
          %dma_start3A_183 = tpu.memref_squeeze %dma_start3A_182 : memref<1x80x16xf32, #tpu.memory_space<vmem>> -> memref<80x16xf32, #tpu.memory_space<vmem>>
          %dma_start3A_184 = arith.constant 0 : i32
          %dma_start3A_185 = tpu.memref_slice %arg4[%add3A, %mul3A_171, %dma_start3A_184] : memref<32x10000x16xf32, #tpu.memory_space<hbm>> -> memref<1x80x16xf32, #tpu.memory_space<hbm>>
          %dma_start3A_186 = tpu.memref_squeeze %dma_start3A_185 : memref<1x80x16xf32, #tpu.memory_space<hbm>> -> memref<80x16xf32, #tpu.memory_space<hbm>>
          tpu.enqueue_dma source(%dma_start3A_186 : memref<80x16xf32, #tpu.memory_space<hbm>>) target(%dma_start3A_183 : memref<80x16xf32, #tpu.memory_space<vmem>>) target_semaphore(%arg16 : memref<!tpu.dma_semaphore, #tpu.memory_space<semaphore_mem>>)
          %dma_start3A_187 = arith.constant 0 : i32
          %dma_start3A_188 = arith.constant 0 : i32
          %dma_start3A_189 = arith.constant 0 : i32
          %dma_start3A_190 = tpu.memref_slice %arg10[%dma_start3A_187, %dma_start3A_188, %dma_start3A_189] : memref<2x80x128xf32, #tpu.memory_space<vmem>> -> memref<1x80x128xf32, #tpu.memory_space<vmem>>
          %dma_start3A_191 = tpu.memref_squeeze %dma_start3A_190 : memref<1x80x128xf32, #tpu.memory_space<vmem>> -> memref<80x128xf32, #tpu.memory_space<vmem>>
          %dma_start3A_192 = tpu.memref_slice %arg8[%mul3A_171] : memref<10000xi32, #tpu.memory_space<vmem>> -> memref<80xi32, #tpu.memory_space<vmem>>
          %dma_start3A_193 = arith.constant 0 : i32
          %dma_start3A_194 = arith.constant 0 : i32
          %dma_start3A_195 = tpu.memref_slice %arg2[%dma_start3A_193, %dma_start3A_194] : memref<10000x128xf32, #tpu.memory_space<hbm>> -> memref<10000x128xf32, #tpu.memory_space<hbm>>
          tpu.enqueue_indirect_dma source(%dma_start3A_195 : memref<10000x128xf32, #tpu.memory_space<hbm>>) target(%dma_start3A_191 : memref<80x128xf32, #tpu.memory_space<vmem>>) offsets(%dma_start3A_192 : memref<80xi32, #tpu.memory_space<vmem>>) semaphore(%arg16 : memref<!tpu.dma_semaphore, #tpu.memory_space<semaphore_mem>>)
          %dma_start3A_196 = arith.constant 0 : i32
          %dma_start3A_197 = arith.constant 0 : i32
          %dma_start3A_198 = arith.constant 0 : i32
          %dma_start3A_199 = tpu.memref_slice %arg11[%dma_start3A_196, %dma_start3A_197, %dma_start3A_198] : memref<2x80x128xf32, #tpu.memory_space<vmem>> -> memref<1x80x128xf32, #tpu.memory_space<vmem>>
          %dma_start3A_200 = tpu.memref_squeeze %dma_start3A_199 : memref<1x80x128xf32, #tpu.memory_space<vmem>> -> memref<80x128xf32, #tpu.memory_space<vmem>>
          %dma_start3A_201 = tpu.memref_slice %arg9[%mul3A_171] : memref<10000xi32, #tpu.memory_space<vmem>> -> memref<80xi32, #tpu.memory_space<vmem>>
          %dma_start3A_202 = arith.constant 0 : i32
          %dma_start3A_203 = arith.constant 0 : i32
          %dma_start3A_204 = tpu.memref_slice %arg2[%dma_start3A_202, %dma_start3A_203] : memref<10000x128xf32, #tpu.memory_space<hbm>> -> memref<10000x128xf32, #tpu.memory_space<hbm>>
          tpu.enqueue_indirect_dma source(%dma_start3A_204 : memref<10000x128xf32, #tpu.memory_space<hbm>>) target(%dma_start3A_200 : memref<80x128xf32, #tpu.memory_space<vmem>>) offsets(%dma_start3A_201 : memref<80xi32, #tpu.memory_space<vmem>>) semaphore(%arg16 : memref<!tpu.dma_semaphore, #tpu.memory_space<semaphore_mem>>)
        } else {
        }
      } else {
      }
      %eq3A = arith.constant 0 : i32
      %eq3A_119 = arith.cmpi eq, %rem3A_114, %eq3A : i32
      %convert_element_type3A_120 = arith.extui %eq3A_119 : i1 to i32
      %cond3A_121 = arith.constant 0 : i32
      %cond3A_122 = arith.cmpi ne, %convert_element_type3A_120, %cond3A_121 : i32
      scf.if %cond3A_122 {
        %mul3A_158 = arith.constant 80 : i32
        %mul3A_159 = arith.muli %scan3A_113, %mul3A_158 : i32
        %dma_wait3A_160 = arith.constant 0 : i32
        %dma_wait3A_161 = arith.constant 0 : i32
        %dma_wait3A_162 = arith.constant 0 : i32
        %dma_wait3A_163 = tpu.memref_slice %arg12[%dma_wait3A_160, %dma_wait3A_161, %dma_wait3A_162] : memref<2x80x16xf32, #tpu.memory_space<vmem>> -> memref<1x80x16xf32, #tpu.memory_space<vmem>>
        %dma_wait3A_164 = tpu.memref_squeeze %dma_wait3A_163 : memref<1x80x16xf32, #tpu.memory_space<vmem>> -> memref<80x16xf32, #tpu.memory_space<vmem>>
        %dma_wait3A_165 = arith.constant 0 : i32
        %dma_wait3A_166 = tpu.memref_slice %arg4[%add3A, %mul3A_159, %dma_wait3A_165] : memref<32x10000x16xf32, #tpu.memory_space<hbm>> -> memref<1x80x16xf32, #tpu.memory_space<hbm>>
        %dma_wait3A_167 = tpu.memref_squeeze %dma_wait3A_166 : memref<1x80x16xf32, #tpu.memory_space<hbm>> -> memref<80x16xf32, #tpu.memory_space<hbm>>
        %dma_wait3A_168 = arith.constant 0 : i32
        %dma_wait3A_169 = arith.constant 0 : i32
        %dma_wait3A_170 = tpu.memref_slice %arg12[%dma_wait3A_160, %dma_wait3A_168, %dma_wait3A_169] : memref<2x80x16xf32, #tpu.memory_space<vmem>> -> memref<1x80x16xf32, #tpu.memory_space<vmem>>
        %dma_wait3A_171 = tpu.memref_squeeze %dma_wait3A_170 : memref<1x80x16xf32, #tpu.memory_space<vmem>> -> memref<80x16xf32, #tpu.memory_space<vmem>>
        %dma_wait3A_172 = arith.constant 0 : i32
        %dma_wait3A_173 = tpu.memref_slice %arg4[%add3A, %mul3A_159, %dma_wait3A_172] : memref<32x10000x16xf32, #tpu.memory_space<hbm>> -> memref<1x80x16xf32, #tpu.memory_space<hbm>>
        %dma_wait3A_174 = tpu.memref_squeeze %dma_wait3A_173 : memref<1x80x16xf32, #tpu.memory_space<hbm>> -> memref<80x16xf32, #tpu.memory_space<hbm>>
        tpu.wait_dma2 semaphore(%arg16 : memref<!tpu.dma_semaphore, #tpu.memory_space<semaphore_mem>>) src(%dma_wait3A_174 : memref<80x16xf32, #tpu.memory_space<hbm>>) dst(%dma_wait3A_171 : memref<80x16xf32, #tpu.memory_space<vmem>>)
        %dma_wait3A_175 = arith.constant 0 : i32
        %dma_wait3A_176 = arith.constant 0 : i32
        %dma_wait3A_177 = arith.constant 0 : i32
        %dma_wait3A_178 = tpu.memref_slice %arg10[%dma_wait3A_175, %dma_wait3A_176, %dma_wait3A_177] : memref<2x80x128xf32, #tpu.memory_space<vmem>> -> memref<1x80x128xf32, #tpu.memory_space<vmem>>
        %dma_wait3A_179 = tpu.memref_squeeze %dma_wait3A_178 : memref<1x80x128xf32, #tpu.memory_space<vmem>> -> memref<80x128xf32, #tpu.memory_space<vmem>>
        %dma_wait3A_180 = tpu.memref_slice %arg8[%mul3A_159] : memref<10000xi32, #tpu.memory_space<vmem>> -> memref<80xi32, #tpu.memory_space<vmem>>
        %dma_wait3A_181 = arith.constant 0 : i32
        %dma_wait3A_182 = arith.constant 0 : i32
        %dma_wait3A_183 = tpu.memref_slice %arg2[%dma_wait3A_181, %dma_wait3A_182] : memref<10000x128xf32, #tpu.memory_space<hbm>> -> memref<10000x128xf32, #tpu.memory_space<hbm>>
        tpu.wait_indirect_dma semaphore(%arg16 : memref<!tpu.dma_semaphore, #tpu.memory_space<semaphore_mem>>) src(%dma_wait3A_183 : memref<10000x128xf32, #tpu.memory_space<hbm>>) dst(%dma_wait3A_179 : memref<80x128xf32, #tpu.memory_space<vmem>>)
        %dma_wait3A_184 = arith.constant 0 : i32
        %dma_wait3A_185 = arith.constant 0 : i32
        %dma_wait3A_186 = arith.constant 0 : i32
        %dma_wait3A_187 = tpu.memref_slice %arg11[%dma_wait3A_184, %dma_wait3A_185, %dma_wait3A_186] : memref<2x80x128xf32, #tpu.memory_space<vmem>> -> memref<1x80x128xf32, #tpu.memory_space<vmem>>
        %dma_wait3A_188 = tpu.memref_squeeze %dma_wait3A_187 : memref<1x80x128xf32, #tpu.memory_space<vmem>> -> memref<80x128xf32, #tpu.memory_space<vmem>>
        %dma_wait3A_189 = tpu.memref_slice %arg9[%mul3A_159] : memref<10000xi32, #tpu.memory_space<vmem>> -> memref<80xi32, #tpu.memory_space<vmem>>
        %dma_wait3A_190 = arith.constant 0 : i32
        %dma_wait3A_191 = arith.constant 0 : i32
        %dma_wait3A_192 = tpu.memref_slice %arg2[%dma_wait3A_190, %dma_wait3A_191] : memref<10000x128xf32, #tpu.memory_space<hbm>> -> memref<10000x128xf32, #tpu.memory_space<hbm>>
        tpu.wait_indirect_dma semaphore(%arg16 : memref<!tpu.dma_semaphore, #tpu.memory_space<semaphore_mem>>) src(%dma_wait3A_192 : memref<10000x128xf32, #tpu.memory_space<hbm>>) dst(%dma_wait3A_188 : memref<80x128xf32, #tpu.memory_space<vmem>>)
      } else {
      }
      %eq3A_123 = arith.constant 1 : i32
      %eq3A_124 = arith.cmpi eq, %rem3A_114, %eq3A_123 : i32
      %convert_element_type3A_125 = arith.extui %eq3A_124 : i1 to i32
      %cond3A_126 = arith.constant 0 : i32
      %cond3A_127 = arith.cmpi ne, %convert_element_type3A_125, %cond3A_126 : i32
      scf.if %cond3A_127 {
        %mul3A_158 = arith.constant 80 : i32
        %mul3A_159 = arith.muli %scan3A_113, %mul3A_158 : i32
        %dma_wait3A_160 = arith.constant 1 : i32
        %dma_wait3A_161 = arith.constant 0 : i32
        %dma_wait3A_162 = arith.constant 0 : i32
        %dma_wait3A_163 = tpu.memref_slice %arg12[%dma_wait3A_160, %dma_wait3A_161, %dma_wait3A_162] : memref<2x80x16xf32, #tpu.memory_space<vmem>> -> memref<1x80x16xf32, #tpu.memory_space<vmem>>
        %dma_wait3A_164 = tpu.memref_squeeze %dma_wait3A_163 : memref<1x80x16xf32, #tpu.memory_space<vmem>> -> memref<80x16xf32, #tpu.memory_space<vmem>>
        %dma_wait3A_165 = arith.constant 0 : i32
        %dma_wait3A_166 = tpu.memref_slice %arg4[%add3A, %mul3A_159, %dma_wait3A_165] : memref<32x10000x16xf32, #tpu.memory_space<hbm>> -> memref<1x80x16xf32, #tpu.memory_space<hbm>>
        %dma_wait3A_167 = tpu.memref_squeeze %dma_wait3A_166 : memref<1x80x16xf32, #tpu.memory_space<hbm>> -> memref<80x16xf32, #tpu.memory_space<hbm>>
        %dma_wait3A_168 = arith.constant 0 : i32
        %dma_wait3A_169 = arith.constant 0 : i32
        %dma_wait3A_170 = tpu.memref_slice %arg12[%dma_wait3A_160, %dma_wait3A_168, %dma_wait3A_169] : memref<2x80x16xf32, #tpu.memory_space<vmem>> -> memref<1x80x16xf32, #tpu.memory_space<vmem>>
        %dma_wait3A_171 = tpu.memref_squeeze %dma_wait3A_170 : memref<1x80x16xf32, #tpu.memory_space<vmem>> -> memref<80x16xf32, #tpu.memory_space<vmem>>
        %dma_wait3A_172 = arith.constant 0 : i32
        %dma_wait3A_173 = tpu.memref_slice %arg4[%add3A, %mul3A_159, %dma_wait3A_172] : memref<32x10000x16xf32, #tpu.memory_space<hbm>> -> memref<1x80x16xf32, #tpu.memory_space<hbm>>
        %dma_wait3A_174 = tpu.memref_squeeze %dma_wait3A_173 : memref<1x80x16xf32, #tpu.memory_space<hbm>> -> memref<80x16xf32, #tpu.memory_space<hbm>>
        tpu.wait_dma2 semaphore(%arg17 : memref<!tpu.dma_semaphore, #tpu.memory_space<semaphore_mem>>) src(%dma_wait3A_174 : memref<80x16xf32, #tpu.memory_space<hbm>>) dst(%dma_wait3A_171 : memref<80x16xf32, #tpu.memory_space<vmem>>)
        %dma_wait3A_175 = arith.constant 1 : i32
        %dma_wait3A_176 = arith.constant 0 : i32
        %dma_wait3A_177 = arith.constant 0 : i32
        %dma_wait3A_178 = tpu.memref_slice %arg10[%dma_wait3A_175, %dma_wait3A_176, %dma_wait3A_177] : memref<2x80x128xf32, #tpu.memory_space<vmem>> -> memref<1x80x128xf32, #tpu.memory_space<vmem>>
        %dma_wait3A_179 = tpu.memref_squeeze %dma_wait3A_178 : memref<1x80x128xf32, #tpu.memory_space<vmem>> -> memref<80x128xf32, #tpu.memory_space<vmem>>
        %dma_wait3A_180 = tpu.memref_slice %arg8[%mul3A_159] : memref<10000xi32, #tpu.memory_space<vmem>> -> memref<80xi32, #tpu.memory_space<vmem>>
        %dma_wait3A_181 = arith.constant 0 : i32
        %dma_wait3A_182 = arith.constant 0 : i32
        %dma_wait3A_183 = tpu.memref_slice %arg2[%dma_wait3A_181, %dma_wait3A_182] : memref<10000x128xf32, #tpu.memory_space<hbm>> -> memref<10000x128xf32, #tpu.memory_space<hbm>>
        tpu.wait_indirect_dma semaphore(%arg17 : memref<!tpu.dma_semaphore, #tpu.memory_space<semaphore_mem>>) src(%dma_wait3A_183 : memref<10000x128xf32, #tpu.memory_space<hbm>>) dst(%dma_wait3A_179 : memref<80x128xf32, #tpu.memory_space<vmem>>)
        %dma_wait3A_184 = arith.constant 1 : i32
        %dma_wait3A_185 = arith.constant 0 : i32
        %dma_wait3A_186 = arith.constant 0 : i32
        %dma_wait3A_187 = tpu.memref_slice %arg11[%dma_wait3A_184, %dma_wait3A_185, %dma_wait3A_186] : memref<2x80x128xf32, #tpu.memory_space<vmem>> -> memref<1x80x128xf32, #tpu.memory_space<vmem>>
        %dma_wait3A_188 = tpu.memref_squeeze %dma_wait3A_187 : memref<1x80x128xf32, #tpu.memory_space<vmem>> -> memref<80x128xf32, #tpu.memory_space<vmem>>
        %dma_wait3A_189 = tpu.memref_slice %arg9[%mul3A_159] : memref<10000xi32, #tpu.memory_space<vmem>> -> memref<80xi32, #tpu.memory_space<vmem>>
        %dma_wait3A_190 = arith.constant 0 : i32
        %dma_wait3A_191 = arith.constant 0 : i32
        %dma_wait3A_192 = tpu.memref_slice %arg2[%dma_wait3A_190, %dma_wait3A_191] : memref<10000x128xf32, #tpu.memory_space<hbm>> -> memref<10000x128xf32, #tpu.memory_space<hbm>>
        tpu.wait_indirect_dma semaphore(%arg17 : memref<!tpu.dma_semaphore, #tpu.memory_space<semaphore_mem>>) src(%dma_wait3A_192 : memref<10000x128xf32, #tpu.memory_space<hbm>>) dst(%dma_wait3A_188 : memref<80x128xf32, #tpu.memory_space<vmem>>)
      } else {
      }
      %ge3A = arith.constant 2 : i32
      %ge3A_128 = arith.cmpi sge, %scan3A_113, %ge3A : i32
      %eq3A_129 = arith.constant 0 : i32
      %eq3A_130 = arith.cmpi eq, %rem3A_114, %eq3A_129 : i32
      %and3A = arith.andi %ge3A_128, %eq3A_130 : i1
      %convert_element_type3A_131 = arith.extui %and3A : i1 to i32
      %cond3A_132 = arith.constant 0 : i32
      %cond3A_133 = arith.cmpi ne, %convert_element_type3A_131, %cond3A_132 : i32
      scf.if %cond3A_133 {
        %mul3A_158 = arith.constant 1250 : i32
        %mul3A_159 = arith.muli %add3A, %mul3A_158 : i32
        %mul3A_160 = arith.constant 10 : i32
        %mul3A_161 = arith.muli %scan3A_113, %mul3A_160 : i32
        %add3A_162 = arith.addi %mul3A_159, %mul3A_161 : i32
        %mul3A_163 = arith.constant 128 : i32
        %mul3A_164 = arith.muli %add3A_162, %mul3A_163 : i32
        %dma_wait3A_165 = arith.constant 0 : i32
        %dma_wait3A_166 = arith.constant 0 : i32
        %dma_wait3A_167 = tpu.memref_slice %arg13[%dma_wait3A_165, %dma_wait3A_166] : memref<2x1280xf32, #tpu.memory_space<vmem>> -> memref<1x1280xf32, #tpu.memory_space<vmem>>
        %dma_wait3A_168 = tpu.memref_squeeze %dma_wait3A_167 : memref<1x1280xf32, #tpu.memory_space<vmem>> -> memref<1280xf32, #tpu.memory_space<vmem>>
        %dma_wait3A_169 = tpu.memref_slice %arg5[%mul3A_164] : memref<5120000xf32, #tpu.memory_space<hbm>> -> memref<1280xf32, #tpu.memory_space<hbm>>
        %dma_wait3A_170 = tpu.memref_slice %arg5[%mul3A_164] : memref<5120000xf32, #tpu.memory_space<hbm>> -> memref<1280xf32, #tpu.memory_space<hbm>>
        %dma_wait3A_171 = arith.constant 0 : i32
        %dma_wait3A_172 = tpu.memref_slice %arg13[%dma_wait3A_165, %dma_wait3A_171] : memref<2x1280xf32, #tpu.memory_space<vmem>> -> memref<1x1280xf32, #tpu.memory_space<vmem>>
        %dma_wait3A_173 = tpu.memref_squeeze %dma_wait3A_172 : memref<1x1280xf32, #tpu.memory_space<vmem>> -> memref<1280xf32, #tpu.memory_space<vmem>>
        tpu.wait_dma2 semaphore(%arg18 : memref<!tpu.dma_semaphore, #tpu.memory_space<semaphore_mem>>) src(%dma_wait3A_173 : memref<1280xf32, #tpu.memory_space<vmem>>) dst(%dma_wait3A_170 : memref<1280xf32, #tpu.memory_space<hbm>>)
        %dma_wait3A_174 = arith.constant 0 : i32
        %dma_wait3A_175 = arith.constant 0 : i32
        %dma_wait3A_176 = tpu.memref_slice %arg14[%dma_wait3A_174, %dma_wait3A_175] : memref<2x1280xf32, #tpu.memory_space<vmem>> -> memref<1x1280xf32, #tpu.memory_space<vmem>>
        %dma_wait3A_177 = tpu.memref_squeeze %dma_wait3A_176 : memref<1x1280xf32, #tpu.memory_space<vmem>> -> memref<1280xf32, #tpu.memory_space<vmem>>
        %dma_wait3A_178 = tpu.memref_slice %arg6[%mul3A_164] : memref<5120000xf32, #tpu.memory_space<hbm>> -> memref<1280xf32, #tpu.memory_space<hbm>>
        %dma_wait3A_179 = tpu.memref_slice %arg6[%mul3A_164] : memref<5120000xf32, #tpu.memory_space<hbm>> -> memref<1280xf32, #tpu.memory_space<hbm>>
        %dma_wait3A_180 = arith.constant 0 : i32
        %dma_wait3A_181 = tpu.memref_slice %arg14[%dma_wait3A_174, %dma_wait3A_180] : memref<2x1280xf32, #tpu.memory_space<vmem>> -> memref<1x1280xf32, #tpu.memory_space<vmem>>
        %dma_wait3A_182 = tpu.memref_squeeze %dma_wait3A_181 : memref<1x1280xf32, #tpu.memory_space<vmem>> -> memref<1280xf32, #tpu.memory_space<vmem>>
        tpu.wait_dma2 semaphore(%arg18 : memref<!tpu.dma_semaphore, #tpu.memory_space<semaphore_mem>>) src(%dma_wait3A_182 : memref<1280xf32, #tpu.memory_space<vmem>>) dst(%dma_wait3A_179 : memref<1280xf32, #tpu.memory_space<hbm>>)
        %dma_wait3A_183 = arith.constant 0 : i32
        %dma_wait3A_184 = arith.constant 0 : i32
        %dma_wait3A_185 = tpu.memref_slice %arg15[%dma_wait3A_183, %dma_wait3A_184] : memref<2x1280xf32, #tpu.memory_space<vmem>> -> memref<1x1280xf32, #tpu.memory_space<vmem>>
        %dma_wait3A_186 = tpu.memref_squeeze %dma_wait3A_185 : memref<1x1280xf32, #tpu.memory_space<vmem>> -> memref<1280xf32, #tpu.memory_space<vmem>>
        %dma_wait3A_187 = tpu.memref_slice %arg7[%mul3A_164] : memref<5120000xf32, #tpu.memory_space<hbm>> -> memref<1280xf32, #tpu.memory_space<hbm>>
        %dma_wait3A_188 = tpu.memref_slice %arg7[%mul3A_164] : memref<5120000xf32, #tpu.memory_space<hbm>> -> memref<1280xf32, #tpu.memory_space<hbm>>
        %dma_wait3A_189 = arith.constant 0 : i32
        %dma_wait3A_190 = tpu.memref_slice %arg15[%dma_wait3A_183, %dma_wait3A_189] : memref<2x1280xf32, #tpu.memory_space<vmem>> -> memref<1x1280xf32, #tpu.memory_space<vmem>>
        %dma_wait3A_191 = tpu.memref_squeeze %dma_wait3A_190 : memref<1x1280xf32, #tpu.memory_space<vmem>> -> memref<1280xf32, #tpu.memory_space<vmem>>
        tpu.wait_dma2 semaphore(%arg18 : memref<!tpu.dma_semaphore, #tpu.memory_space<semaphore_mem>>) src(%dma_wait3A_191 : memref<1280xf32, #tpu.memory_space<vmem>>) dst(%dma_wait3A_188 : memref<1280xf32, #tpu.memory_space<hbm>>)
      } else {
      }
      %ge3A_134 = arith.constant 2 : i32
      %ge3A_135 = arith.cmpi sge, %scan3A_113, %ge3A_134 : i32
      %eq3A_136 = arith.constant 1 : i32
      %eq3A_137 = arith.cmpi eq, %rem3A_114, %eq3A_136 : i32
      %and3A_138 = arith.andi %ge3A_135, %eq3A_137 : i1
      %convert_element_type3A_139 = arith.extui %and3A_138 : i1 to i32
      %cond3A_140 = arith.constant 0 : i32
      %cond3A_141 = arith.cmpi ne, %convert_element_type3A_139, %cond3A_140 : i32
      scf.if %cond3A_141 {
        %mul3A_158 = arith.constant 1250 : i32
        %mul3A_159 = arith.muli %add3A, %mul3A_158 : i32
        %mul3A_160 = arith.constant 10 : i32
        %mul3A_161 = arith.muli %scan3A_113, %mul3A_160 : i32
        %add3A_162 = arith.addi %mul3A_159, %mul3A_161 : i32
        %mul3A_163 = arith.constant 128 : i32
        %mul3A_164 = arith.muli %add3A_162, %mul3A_163 : i32
        %dma_wait3A_165 = arith.constant 1 : i32
        %dma_wait3A_166 = arith.constant 0 : i32
        %dma_wait3A_167 = tpu.memref_slice %arg13[%dma_wait3A_165, %dma_wait3A_166] : memref<2x1280xf32, #tpu.memory_space<vmem>> -> memref<1x1280xf32, #tpu.memory_space<vmem>>
        %dma_wait3A_168 = tpu.memref_squeeze %dma_wait3A_167 : memref<1x1280xf32, #tpu.memory_space<vmem>> -> memref<1280xf32, #tpu.memory_space<vmem>>
        %dma_wait3A_169 = tpu.memref_slice %arg5[%mul3A_164] : memref<5120000xf32, #tpu.memory_space<hbm>> -> memref<1280xf32, #tpu.memory_space<hbm>>
        %dma_wait3A_170 = tpu.memref_slice %arg5[%mul3A_164] : memref<5120000xf32, #tpu.memory_space<hbm>> -> memref<1280xf32, #tpu.memory_space<hbm>>
        %dma_wait3A_171 = arith.constant 0 : i32
        %dma_wait3A_172 = tpu.memref_slice %arg13[%dma_wait3A_165, %dma_wait3A_171] : memref<2x1280xf32, #tpu.memory_space<vmem>> -> memref<1x1280xf32, #tpu.memory_space<vmem>>
        %dma_wait3A_173 = tpu.memref_squeeze %dma_wait3A_172 : memref<1x1280xf32, #tpu.memory_space<vmem>> -> memref<1280xf32, #tpu.memory_space<vmem>>
        tpu.wait_dma2 semaphore(%arg19 : memref<!tpu.dma_semaphore, #tpu.memory_space<semaphore_mem>>) src(%dma_wait3A_173 : memref<1280xf32, #tpu.memory_space<vmem>>) dst(%dma_wait3A_170 : memref<1280xf32, #tpu.memory_space<hbm>>)
        %dma_wait3A_174 = arith.constant 1 : i32
        %dma_wait3A_175 = arith.constant 0 : i32
        %dma_wait3A_176 = tpu.memref_slice %arg14[%dma_wait3A_174, %dma_wait3A_175] : memref<2x1280xf32, #tpu.memory_space<vmem>> -> memref<1x1280xf32, #tpu.memory_space<vmem>>
        %dma_wait3A_177 = tpu.memref_squeeze %dma_wait3A_176 : memref<1x1280xf32, #tpu.memory_space<vmem>> -> memref<1280xf32, #tpu.memory_space<vmem>>
        %dma_wait3A_178 = tpu.memref_slice %arg6[%mul3A_164] : memref<5120000xf32, #tpu.memory_space<hbm>> -> memref<1280xf32, #tpu.memory_space<hbm>>
        %dma_wait3A_179 = tpu.memref_slice %arg6[%mul3A_164] : memref<5120000xf32, #tpu.memory_space<hbm>> -> memref<1280xf32, #tpu.memory_space<hbm>>
        %dma_wait3A_180 = arith.constant 0 : i32
        %dma_wait3A_181 = tpu.memref_slice %arg14[%dma_wait3A_174, %dma_wait3A_180] : memref<2x1280xf32, #tpu.memory_space<vmem>> -> memref<1x1280xf32, #tpu.memory_space<vmem>>
        %dma_wait3A_182 = tpu.memref_squeeze %dma_wait3A_181 : memref<1x1280xf32, #tpu.memory_space<vmem>> -> memref<1280xf32, #tpu.memory_space<vmem>>
        tpu.wait_dma2 semaphore(%arg19 : memref<!tpu.dma_semaphore, #tpu.memory_space<semaphore_mem>>) src(%dma_wait3A_182 : memref<1280xf32, #tpu.memory_space<vmem>>) dst(%dma_wait3A_179 : memref<1280xf32, #tpu.memory_space<hbm>>)
        %dma_wait3A_183 = arith.constant 1 : i32
        %dma_wait3A_184 = arith.constant 0 : i32
        %dma_wait3A_185 = tpu.memref_slice %arg15[%dma_wait3A_183, %dma_wait3A_184] : memref<2x1280xf32, #tpu.memory_space<vmem>> -> memref<1x1280xf32, #tpu.memory_space<vmem>>
        %dma_wait3A_186 = tpu.memref_squeeze %dma_wait3A_185 : memref<1x1280xf32, #tpu.memory_space<vmem>> -> memref<1280xf32, #tpu.memory_space<vmem>>
        %dma_wait3A_187 = tpu.memref_slice %arg7[%mul3A_164] : memref<5120000xf32, #tpu.memory_space<hbm>> -> memref<1280xf32, #tpu.memory_space<hbm>>
        %dma_wait3A_188 = tpu.memref_slice %arg7[%mul3A_164] : memref<5120000xf32, #tpu.memory_space<hbm>> -> memref<1280xf32, #tpu.memory_space<hbm>>
        %dma_wait3A_189 = arith.constant 0 : i32
        %dma_wait3A_190 = tpu.memref_slice %arg15[%dma_wait3A_183, %dma_wait3A_189] : memref<2x1280xf32, #tpu.memory_space<vmem>> -> memref<1x1280xf32, #tpu.memory_space<vmem>>
        %dma_wait3A_191 = tpu.memref_squeeze %dma_wait3A_190 : memref<1x1280xf32, #tpu.memory_space<vmem>> -> memref<1280xf32, #tpu.memory_space<vmem>>
        tpu.wait_dma2 semaphore(%arg19 : memref<!tpu.dma_semaphore, #tpu.memory_space<semaphore_mem>>) src(%dma_wait3A_191 : memref<1280xf32, #tpu.memory_space<vmem>>) dst(%dma_wait3A_188 : memref<1280xf32, #tpu.memory_space<hbm>>)
      } else {
      }
      %scan3A_142 = arith.constant 0 : i32
      %scan3A_143 = arith.constant 0 : i32
      %scan3A_144 = arith.constant 10 : i32
      %scan3A_145 = arith.addi %scan3A_143, %scan3A_144 : i32
      %scan3A_146 = arith.constant 1 : i32
      scf.for %scan3A_158 = %scan3A_143 to %scan3A_145 step %scan3A_146  : i32 {
        %mul3A_159 = arith.constant 8 : i32
        %mul3A_160 = arith.muli %scan3A_158, %mul3A_159 : i32
        %add3A_161 = arith.constant 0 : i32
        %add3A_162 = arith.addi %mul3A_160, %add3A_161 : i32
        %mul3A_163 = arith.constant 128 : i32
        %mul3A_164 = arith.muli %scan3A_158, %mul3A_163 : i32
        %add3A_165 = arith.constant 0 : i32
        %add3A_166 = arith.addi %mul3A_164, %add3A_165 : i32
        %add3A_167 = arith.constant 0 : i32
        %add3A_168 = arith.addi %add3A_166, %add3A_167 : i32
        %get3A = arith.index_cast %rem3A_114 : i32 to index
        %get3A_169 = arith.index_cast %add3A_162 : i32 to index
        %get3A_170 = arith.constant 0 : index
        %get3A_171 = tpu.vector_load %arg10[%get3A, %get3A_169, %get3A_170] {strides = array<i32>} : memref<2x80x128xf32, #tpu.memory_space<vmem>>, vector<1x1x16xf32>,
        %get3A_172 = vector.shape_cast %get3A_171 : vector<1x1x16xf32> to vector<16xf32>
        %get3A_173 = arith.index_cast %rem3A_114 : i32 to index
        %get3A_174 = arith.index_cast %add3A_162 : i32 to index
        %get3A_175 = arith.constant 32 : index
        %get3A_176 = tpu.vector_load %arg11[%get3A_173, %get3A_174, %get3A_175] {strides = array<i32>} : memref<2x80x128xf32, #tpu.memory_space<vmem>>, vector<1x1x16xf32>,
        %get3A_177 = vector.shape_cast %get3A_176 : vector<1x1x16xf32> to vector<16xf32>
        %add3A_178 = arith.addf %get3A_172, %get3A_177 : vector<16xf32>
        %swap3A = arith.index_cast %rem3A_114 : i32 to index
        %swap3A_179 = arith.index_cast %add3A_168 : i32 to index
        %swap3A_180 = tpu.vector_load %arg13[%swap3A, %swap3A_179] {strides = array<i32>} : memref<2x1280xf32, #tpu.memory_space<vmem>>, vector<1x16xf32>,
        %swap3A_181 = vector.shape_cast %swap3A_180 : vector<1x16xf32> to vector<16xf32>
        %swap3A_182 = vector.shape_cast %add3A_178 : vector<16xf32> to vector<1x16xf32>
        tpu.vector_store %arg13[%swap3A, %swap3A_179], %swap3A_182 {strides = array<i32>} : memref<2x1280xf32, #tpu.memory_space<vmem>>, vector<1x16xf32>,
        %mul3A_183 = arith.constant 128 : i32
        %mul3A_184 = arith.muli %scan3A_158, %mul3A_183 : i32
        %add3A_185 = arith.constant 0 : i32
        %add3A_186 = arith.addi %mul3A_184, %add3A_185 : i32
        %add3A_187 = arith.constant 16 : i32
        %add3A_188 = arith.addi %add3A_186, %add3A_187 : i32
        %get3A_189 = arith.index_cast %rem3A_114 : i32 to index
        %get3A_190 = arith.index_cast %add3A_162 : i32 to index
        %get3A_191 = arith.constant 16 : index
        %get3A_192 = tpu.vector_load %arg10[%get3A_189, %get3A_190, %get3A_191] {strides = array<i32>} : memref<2x80x128xf32, #tpu.memory_space<vmem>>, vector<1x1x16xf32>,
        %get3A_193 = vector.shape_cast %get3A_192 : vector<1x1x16xf32> to vector<16xf32>
        %get3A_194 = arith.index_cast %rem3A_114 : i32 to index
        %get3A_195 = arith.index_cast %add3A_162 : i32 to index
        %get3A_196 = arith.constant 48 : index
        %get3A_197 = tpu.vector_load %arg11[%get3A_194, %get3A_195, %get3A_196] {strides = array<i32>} : memref<2x80x128xf32, #tpu.memory_space<vmem>>, vector<1x1x16xf32>,
        %get3A_198 = vector.shape_cast %get3A_197 : vector<1x1x16xf32> to vector<16xf32>
        %add3A_199 = arith.addf %get3A_193, %get3A_198 : vector<16xf32>
        %swap3A_200 = arith.index_cast %rem3A_114 : i32 to index
        %swap3A_201 = arith.index_cast %add3A_188 : i32 to index
        %swap3A_202 = tpu.vector_load %arg13[%swap3A_200, %swap3A_201] {strides = array<i32>} : memref<2x1280xf32, #tpu.memory_space<vmem>>, vector<1x16xf32>,
        %swap3A_203 = vector.shape_cast %swap3A_202 : vector<1x16xf32> to vector<16xf32>
        %swap3A_204 = vector.shape_cast %add3A_199 : vector<16xf32> to vector<1x16xf32>
        tpu.vector_store %arg13[%swap3A_200, %swap3A_201], %swap3A_204 {strides = array<i32>} : memref<2x1280xf32, #tpu.memory_space<vmem>>, vector<1x16xf32>,
        %mul3A_205 = arith.constant 128 : i32
        %mul3A_206 = arith.muli %scan3A_158, %mul3A_205 : i32
        %add3A_207 = arith.constant 0 : i32
        %add3A_208 = arith.addi %mul3A_206, %add3A_207 : i32
        %get3A_209 = arith.index_cast %rem3A_114 : i32 to index
        %get3A_210 = arith.index_cast %add3A_162 : i32 to index
        %get3A_211 = arith.constant 0 : index
        %get3A_212 = tpu.vector_load %arg12[%get3A_209, %get3A_210, %get3A_211] {strides = array<i32>} : memref<2x80x16xf32, #tpu.memory_space<vmem>>, vector<1x1x16xf32>,
        %get3A_213 = vector.shape_cast %get3A_212 : vector<1x1x16xf32> to vector<16xf32>
        %swap3A_214 = arith.index_cast %rem3A_114 : i32 to index
        %swap3A_215 = arith.index_cast %add3A_208 : i32 to index
        %swap3A_216 = tpu.vector_load %arg15[%swap3A_214, %swap3A_215] {strides = array<i32>} : memref<2x1280xf32, #tpu.memory_space<vmem>>, vector<1x16xf32>,
        %swap3A_217 = vector.shape_cast %swap3A_216 : vector<1x16xf32> to vector<16xf32>
        %swap3A_218 = vector.shape_cast %get3A_213 : vector<16xf32> to vector<1x16xf32>
        tpu.vector_store %arg15[%swap3A_214, %swap3A_215], %swap3A_218 {strides = array<i32>} : memref<2x1280xf32, #tpu.memory_space<vmem>>, vector<1x16xf32>,
        %mul3A_219 = arith.constant 8 : i32
        %mul3A_220 = arith.muli %scan3A_158, %mul3A_219 : i32
        %add3A_221 = arith.constant 1 : i32
        %add3A_222 = arith.addi %mul3A_220, %add3A_221 : i32
        %mul3A_223 = arith.constant 128 : i32
        %mul3A_224 = arith.muli %scan3A_158, %mul3A_223 : i32
        %add3A_225 = arith.constant 32 : i32
        %add3A_226 = arith.addi %mul3A_224, %add3A_225 : i32
        %add3A_227 = arith.constant 0 : i32
        %add3A_228 = arith.addi %add3A_226, %add3A_227 : i32
        %get3A_229 = arith.index_cast %rem3A_114 : i32 to index
        %get3A_230 = arith.index_cast %add3A_222 : i32 to index
        %get3A_231 = arith.constant 0 : index
        %get3A_232 = tpu.vector_load %arg10[%get3A_229, %get3A_230, %get3A_231] {strides = array<i32>} : memref<2x80x128xf32, #tpu.memory_space<vmem>>, vector<1x1x16xf32>,
        %get3A_233 = vector.shape_cast %get3A_232 : vector<1x1x16xf32> to vector<16xf32>
        %get3A_234 = arith.index_cast %rem3A_114 : i32 to index
        %get3A_235 = arith.index_cast %add3A_222 : i32 to index
        %get3A_236 = arith.constant 32 : index
        %get3A_237 = tpu.vector_load %arg11[%get3A_234, %get3A_235, %get3A_236] {strides = array<i32>} : memref<2x80x128xf32, #tpu.memory_space<vmem>>, vector<1x1x16xf32>,
        %get3A_238 = vector.shape_cast %get3A_237 : vector<1x1x16xf32> to vector<16xf32>
        %add3A_239 = arith.addf %get3A_233, %get3A_238 : vector<16xf32>
        %swap3A_240 = arith.index_cast %rem3A_114 : i32 to index
        %swap3A_241 = arith.index_cast %add3A_228 : i32 to index
        %swap3A_242 = tpu.vector_load %arg13[%swap3A_240, %swap3A_241] {strides = array<i32>} : memref<2x1280xf32, #tpu.memory_space<vmem>>, vector<1x16xf32>,
        %swap3A_243 = vector.shape_cast %swap3A_242 : vector<1x16xf32> to vector<16xf32>
        %swap3A_244 = vector.shape_cast %add3A_239 : vector<16xf32> to vector<1x16xf32>
        tpu.vector_store %arg13[%swap3A_240, %swap3A_241], %swap3A_244 {strides = array<i32>} : memref<2x1280xf32, #tpu.memory_space<vmem>>, vector<1x16xf32>,
        %mul3A_245 = arith.constant 128 : i32
        %mul3A_246 = arith.muli %scan3A_158, %mul3A_245 : i32
        %add3A_247 = arith.constant 32 : i32
        %add3A_248 = arith.addi %mul3A_246, %add3A_247 : i32
        %add3A_249 = arith.constant 16 : i32
        %add3A_250 = arith.addi %add3A_248, %add3A_249 : i32
        %get3A_251 = arith.index_cast %rem3A_114 : i32 to index
        %get3A_252 = arith.index_cast %add3A_222 : i32 to index
        %get3A_253 = arith.constant 16 : index
        %get3A_254 = tpu.vector_load %arg10[%get3A_251, %get3A_252, %get3A_253] {strides = array<i32>} : memref<2x80x128xf32, #tpu.memory_space<vmem>>, vector<1x1x16xf32>,
        %get3A_255 = vector.shape_cast %get3A_254 : vector<1x1x16xf32> to vector<16xf32>
        %get3A_256 = arith.index_cast %rem3A_114 : i32 to index
        %get3A_257 = arith.index_cast %add3A_222 : i32 to index
        %get3A_258 = arith.constant 48 : index
        %get3A_259 = tpu.vector_load %arg11[%get3A_256, %get3A_257, %get3A_258] {strides = array<i32>} : memref<2x80x128xf32, #tpu.memory_space<vmem>>, vector<1x1x16xf32>,
        %get3A_260 = vector.shape_cast %get3A_259 : vector<1x1x16xf32> to vector<16xf32>
        %add3A_261 = arith.addf %get3A_255, %get3A_260 : vector<16xf32>
        %swap3A_262 = arith.index_cast %rem3A_114 : i32 to index
        %swap3A_263 = arith.index_cast %add3A_250 : i32 to index
        %swap3A_264 = tpu.vector_load %arg13[%swap3A_262, %swap3A_263] {strides = array<i32>} : memref<2x1280xf32, #tpu.memory_space<vmem>>, vector<1x16xf32>,
        %swap3A_265 = vector.shape_cast %swap3A_264 : vector<1x16xf32> to vector<16xf32>
        %swap3A_266 = vector.shape_cast %add3A_261 : vector<16xf32> to vector<1x16xf32>
        tpu.vector_store %arg13[%swap3A_262, %swap3A_263], %swap3A_266 {strides = array<i32>} : memref<2x1280xf32, #tpu.memory_space<vmem>>, vector<1x16xf32>,
        %mul3A_267 = arith.constant 128 : i32
        %mul3A_268 = arith.muli %scan3A_158, %mul3A_267 : i32
        %add3A_269 = arith.constant 16 : i32
        %add3A_270 = arith.addi %mul3A_268, %add3A_269 : i32
        %get3A_271 = arith.index_cast %rem3A_114 : i32 to index
        %get3A_272 = arith.index_cast %add3A_222 : i32 to index
        %get3A_273 = arith.constant 0 : index
        %get3A_274 = tpu.vector_load %arg12[%get3A_271, %get3A_272, %get3A_273] {strides = array<i32>} : memref<2x80x16xf32, #tpu.memory_space<vmem>>, vector<1x1x16xf32>,
        %get3A_275 = vector.shape_cast %get3A_274 : vector<1x1x16xf32> to vector<16xf32>
        %swap3A_276 = arith.index_cast %rem3A_114 : i32 to index
        %swap3A_277 = arith.index_cast %add3A_270 : i32 to index
        %swap3A_278 = tpu.vector_load %arg15[%swap3A_276, %swap3A_277] {strides = array<i32>} : memref<2x1280xf32, #tpu.memory_space<vmem>>, vector<1x16xf32>,
        %swap3A_279 = vector.shape_cast %swap3A_278 : vector<1x16xf32> to vector<16xf32>
        %swap3A_280 = vector.shape_cast %get3A_275 : vector<16xf32> to vector<1x16xf32>
        tpu.vector_store %arg15[%swap3A_276, %swap3A_277], %swap3A_280 {strides = array<i32>} : memref<2x1280xf32, #tpu.memory_space<vmem>>, vector<1x16xf32>,
        %mul3A_281 = arith.constant 8 : i32
        %mul3A_282 = arith.muli %scan3A_158, %mul3A_281 : i32
        %add3A_283 = arith.constant 2 : i32
        %add3A_284 = arith.addi %mul3A_282, %add3A_283 : i32
        %mul3A_285 = arith.constant 128 : i32
        %mul3A_286 = arith.muli %scan3A_158, %mul3A_285 : i32
        %add3A_287 = arith.constant 64 : i32
        %add3A_288 = arith.addi %mul3A_286, %add3A_287 : i32
        %add3A_289 = arith.constant 0 : i32
        %add3A_290 = arith.addi %add3A_288, %add3A_289 : i32
        %get3A_291 = arith.index_cast %rem3A_114 : i32 to index
        %get3A_292 = arith.index_cast %add3A_284 : i32 to index
        %get3A_293 = arith.constant 0 : index
        %get3A_294 = tpu.vector_load %arg10[%get3A_291, %get3A_292, %get3A_293] {strides = array<i32>} : memref<2x80x128xf32, #tpu.memory_space<vmem>>, vector<1x1x16xf32>,
        %get3A_295 = vector.shape_cast %get3A_294 : vector<1x1x16xf32> to vector<16xf32>
        %get3A_296 = arith.index_cast %rem3A_114 : i32 to index
        %get3A_297 = arith.index_cast %add3A_284 : i32 to index
        %get3A_298 = arith.constant 32 : index
        %get3A_299 = tpu.vector_load %arg11[%get3A_296, %get3A_297, %get3A_298] {strides = array<i32>} : memref<2x80x128xf32, #tpu.memory_space<vmem>>, vector<1x1x16xf32>,
        %get3A_300 = vector.shape_cast %get3A_299 : vector<1x1x16xf32> to vector<16xf32>
        %add3A_301 = arith.addf %get3A_295, %get3A_300 : vector<16xf32>
        %swap3A_302 = arith.index_cast %rem3A_114 : i32 to index
        %swap3A_303 = arith.index_cast %add3A_290 : i32 to index
        %swap3A_304 = tpu.vector_load %arg13[%swap3A_302, %swap3A_303] {strides = array<i32>} : memref<2x1280xf32, #tpu.memory_space<vmem>>, vector<1x16xf32>,
        %swap3A_305 = vector.shape_cast %swap3A_304 : vector<1x16xf32> to vector<16xf32>
        %swap3A_306 = vector.shape_cast %add3A_301 : vector<16xf32> to vector<1x16xf32>
        tpu.vector_store %arg13[%swap3A_302, %swap3A_303], %swap3A_306 {strides = array<i32>} : memref<2x1280xf32, #tpu.memory_space<vmem>>, vector<1x16xf32>,
        %mul3A_307 = arith.constant 128 : i32
        %mul3A_308 = arith.muli %scan3A_158, %mul3A_307 : i32
        %add3A_309 = arith.constant 64 : i32
        %add3A_310 = arith.addi %mul3A_308, %add3A_309 : i32
        %add3A_311 = arith.constant 16 : i32
        %add3A_312 = arith.addi %add3A_310, %add3A_311 : i32
        %get3A_313 = arith.index_cast %rem3A_114 : i32 to index
        %get3A_314 = arith.index_cast %add3A_284 : i32 to index
        %get3A_315 = arith.constant 16 : index
        %get3A_316 = tpu.vector_load %arg10[%get3A_313, %get3A_314, %get3A_315] {strides = array<i32>} : memref<2x80x128xf32, #tpu.memory_space<vmem>>, vector<1x1x16xf32>,
        %get3A_317 = vector.shape_cast %get3A_316 : vector<1x1x16xf32> to vector<16xf32>
        %get3A_318 = arith.index_cast %rem3A_114 : i32 to index
        %get3A_319 = arith.index_cast %add3A_284 : i32 to index
        %get3A_320 = arith.constant 48 : index
        %get3A_321 = tpu.vector_load %arg11[%get3A_318, %get3A_319, %get3A_320] {strides = array<i32>} : memref<2x80x128xf32, #tpu.memory_space<vmem>>, vector<1x1x16xf32>,
        %get3A_322 = vector.shape_cast %get3A_321 : vector<1x1x16xf32> to vector<16xf32>
        %add3A_323 = arith.addf %get3A_317, %get3A_322 : vector<16xf32>
        %swap3A_324 = arith.index_cast %rem3A_114 : i32 to index
        %swap3A_325 = arith.index_cast %add3A_312 : i32 to index
        %swap3A_326 = tpu.vector_load %arg13[%swap3A_324, %swap3A_325] {strides = array<i32>} : memref<2x1280xf32, #tpu.memory_space<vmem>>, vector<1x16xf32>,
        %swap3A_327 = vector.shape_cast %swap3A_326 : vector<1x16xf32> to vector<16xf32>
        %swap3A_328 = vector.shape_cast %add3A_323 : vector<16xf32> to vector<1x16xf32>
        tpu.vector_store %arg13[%swap3A_324, %swap3A_325], %swap3A_328 {strides = array<i32>} : memref<2x1280xf32, #tpu.memory_space<vmem>>, vector<1x16xf32>,
        %mul3A_329 = arith.constant 128 : i32
        %mul3A_330 = arith.muli %scan3A_158, %mul3A_329 : i32
        %add3A_331 = arith.constant 32 : i32
        %add3A_332 = arith.addi %mul3A_330, %add3A_331 : i32
        %get3A_333 = arith.index_cast %rem3A_114 : i32 to index
        %get3A_334 = arith.index_cast %add3A_284 : i32 to index
        %get3A_335 = arith.constant 0 : index
        %get3A_336 = tpu.vector_load %arg12[%get3A_333, %get3A_334, %get3A_335] {strides = array<i32>} : memref<2x80x16xf32, #tpu.memory_space<vmem>>, vector<1x1x16xf32>,
        %get3A_337 = vector.shape_cast %get3A_336 : vector<1x1x16xf32> to vector<16xf32>
        %swap3A_338 = arith.index_cast %rem3A_114 : i32 to index
        %swap3A_339 = arith.index_cast %add3A_332 : i32 to index
        %swap3A_340 = tpu.vector_load %arg15[%swap3A_338, %swap3A_339] {strides = array<i32>} : memref<2x1280xf32, #tpu.memory_space<vmem>>, vector<1x16xf32>,
        %swap3A_341 = vector.shape_cast %swap3A_340 : vector<1x16xf32> to vector<16xf32>
        %swap3A_342 = vector.shape_cast %get3A_337 : vector<16xf32> to vector<1x16xf32>
        tpu.vector_store %arg15[%swap3A_338, %swap3A_339], %swap3A_342 {strides = array<i32>} : memref<2x1280xf32, #tpu.memory_space<vmem>>, vector<1x16xf32>,
        %mul3A_343 = arith.constant 8 : i32
        %mul3A_344 = arith.muli %scan3A_158, %mul3A_343 : i32
        %add3A_345 = arith.constant 3 : i32
        %add3A_346 = arith.addi %mul3A_344, %add3A_345 : i32
        %mul3A_347 = arith.constant 128 : i32
        %mul3A_348 = arith.muli %scan3A_158, %mul3A_347 : i32
        %add3A_349 = arith.constant 96 : i32
        %add3A_350 = arith.addi %mul3A_348, %add3A_349 : i32
        %add3A_351 = arith.constant 0 : i32
        %add3A_352 = arith.addi %add3A_350, %add3A_351 : i32
        %get3A_353 = arith.index_cast %rem3A_114 : i32 to index
        %get3A_354 = arith.index_cast %add3A_346 : i32 to index
        %get3A_355 = arith.constant 0 : index
        %get3A_356 = tpu.vector_load %arg10[%get3A_353, %get3A_354, %get3A_355] {strides = array<i32>} : memref<2x80x128xf32, #tpu.memory_space<vmem>>, vector<1x1x16xf32>,
        %get3A_357 = vector.shape_cast %get3A_356 : vector<1x1x16xf32> to vector<16xf32>
        %get3A_358 = arith.index_cast %rem3A_114 : i32 to index
        %get3A_359 = arith.index_cast %add3A_346 : i32 to index
        %get3A_360 = arith.constant 32 : index
        %get3A_361 = tpu.vector_load %arg11[%get3A_358, %get3A_359, %get3A_360] {strides = array<i32>} : memref<2x80x128xf32, #tpu.memory_space<vmem>>, vector<1x1x16xf32>,
        %get3A_362 = vector.shape_cast %get3A_361 : vector<1x1x16xf32> to vector<16xf32>
        %add3A_363 = arith.addf %get3A_357, %get3A_362 : vector<16xf32>
        %swap3A_364 = arith.index_cast %rem3A_114 : i32 to index
        %swap3A_365 = arith.index_cast %add3A_352 : i32 to index
        %swap3A_366 = tpu.vector_load %arg13[%swap3A_364, %swap3A_365] {strides = array<i32>} : memref<2x1280xf32, #tpu.memory_space<vmem>>, vector<1x16xf32>,
        %swap3A_367 = vector.shape_cast %swap3A_366 : vector<1x16xf32> to vector<16xf32>
        %swap3A_368 = vector.shape_cast %add3A_363 : vector<16xf32> to vector<1x16xf32>
        tpu.vector_store %arg13[%swap3A_364, %swap3A_365], %swap3A_368 {strides = array<i32>} : memref<2x1280xf32, #tpu.memory_space<vmem>>, vector<1x16xf32>,
        %mul3A_369 = arith.constant 128 : i32
        %mul3A_370 = arith.muli %scan3A_158, %mul3A_369 : i32
        %add3A_371 = arith.constant 96 : i32
        %add3A_372 = arith.addi %mul3A_370, %add3A_371 : i32
        %add3A_373 = arith.constant 16 : i32
        %add3A_374 = arith.addi %add3A_372, %add3A_373 : i32
        %get3A_375 = arith.index_cast %rem3A_114 : i32 to index
        %get3A_376 = arith.index_cast %add3A_346 : i32 to index
        %get3A_377 = arith.constant 16 : index
        %get3A_378 = tpu.vector_load %arg10[%get3A_375, %get3A_376, %get3A_377] {strides = array<i32>} : memref<2x80x128xf32, #tpu.memory_space<vmem>>, vector<1x1x16xf32>,
        %get3A_379 = vector.shape_cast %get3A_378 : vector<1x1x16xf32> to vector<16xf32>
        %get3A_380 = arith.index_cast %rem3A_114 : i32 to index
        %get3A_381 = arith.index_cast %add3A_346 : i32 to index
        %get3A_382 = arith.constant 48 : index
        %get3A_383 = tpu.vector_load %arg11[%get3A_380, %get3A_381, %get3A_382] {strides = array<i32>} : memref<2x80x128xf32, #tpu.memory_space<vmem>>, vector<1x1x16xf32>,
        %get3A_384 = vector.shape_cast %get3A_383 : vector<1x1x16xf32> to vector<16xf32>
        %add3A_385 = arith.addf %get3A_379, %get3A_384 : vector<16xf32>
        %swap3A_386 = arith.index_cast %rem3A_114 : i32 to index
        %swap3A_387 = arith.index_cast %add3A_374 : i32 to index
        %swap3A_388 = tpu.vector_load %arg13[%swap3A_386, %swap3A_387] {strides = array<i32>} : memref<2x1280xf32, #tpu.memory_space<vmem>>, vector<1x16xf32>,
        %swap3A_389 = vector.shape_cast %swap3A_388 : vector<1x16xf32> to vector<16xf32>
        %swap3A_390 = vector.shape_cast %add3A_385 : vector<16xf32> to vector<1x16xf32>
        tpu.vector_store %arg13[%swap3A_386, %swap3A_387], %swap3A_390 {strides = array<i32>} : memref<2x1280xf32, #tpu.memory_space<vmem>>, vector<1x16xf32>,
        %mul3A_391 = arith.constant 128 : i32
        %mul3A_392 = arith.muli %scan3A_158, %mul3A_391 : i32
        %add3A_393 = arith.constant 48 : i32
        %add3A_394 = arith.addi %mul3A_392, %add3A_393 : i32
        %get3A_395 = arith.index_cast %rem3A_114 : i32 to index
        %get3A_396 = arith.index_cast %add3A_346 : i32 to index
        %get3A_397 = arith.constant 0 : index
        %get3A_398 = tpu.vector_load %arg12[%get3A_395, %get3A_396, %get3A_397] {strides = array<i32>} : memref<2x80x16xf32, #tpu.memory_space<vmem>>, vector<1x1x16xf32>,
        %get3A_399 = vector.shape_cast %get3A_398 : vector<1x1x16xf32> to vector<16xf32>
        %swap3A_400 = arith.index_cast %rem3A_114 : i32 to index
        %swap3A_401 = arith.index_cast %add3A_394 : i32 to index
        %swap3A_402 = tpu.vector_load %arg15[%swap3A_400, %swap3A_401] {strides = array<i32>} : memref<2x1280xf32, #tpu.memory_space<vmem>>, vector<1x16xf32>,
        %swap3A_403 = vector.shape_cast %swap3A_402 : vector<1x16xf32> to vector<16xf32>
        %swap3A_404 = vector.shape_cast %get3A_399 : vector<16xf32> to vector<1x16xf32>
        tpu.vector_store %arg15[%swap3A_400, %swap3A_401], %swap3A_404 {strides = array<i32>} : memref<2x1280xf32, #tpu.memory_space<vmem>>, vector<1x16xf32>,
        %mul3A_405 = arith.constant 8 : i32
        %mul3A_406 = arith.muli %scan3A_158, %mul3A_405 : i32
        %add3A_407 = arith.constant 4 : i32
        %add3A_408 = arith.addi %mul3A_406, %add3A_407 : i32
        %mul3A_409 = arith.constant 128 : i32
        %mul3A_410 = arith.muli %scan3A_158, %mul3A_409 : i32
        %add3A_411 = arith.constant 0 : i32
        %add3A_412 = arith.addi %mul3A_410, %add3A_411 : i32
        %add3A_413 = arith.constant 0 : i32
        %add3A_414 = arith.addi %add3A_412, %add3A_413 : i32
        %get3A_415 = arith.index_cast %rem3A_114 : i32 to index
        %get3A_416 = arith.index_cast %add3A_408 : i32 to index
        %get3A_417 = arith.constant 0 : index
        %get3A_418 = tpu.vector_load %arg10[%get3A_415, %get3A_416, %get3A_417] {strides = array<i32>} : memref<2x80x128xf32, #tpu.memory_space<vmem>>, vector<1x1x16xf32>,
        %get3A_419 = vector.shape_cast %get3A_418 : vector<1x1x16xf32> to vector<16xf32>
        %get3A_420 = arith.index_cast %rem3A_114 : i32 to index
        %get3A_421 = arith.index_cast %add3A_408 : i32 to index
        %get3A_422 = arith.constant 32 : index
        %get3A_423 = tpu.vector_load %arg11[%get3A_420, %get3A_421, %get3A_422] {strides = array<i32>} : memref<2x80x128xf32, #tpu.memory_space<vmem>>, vector<1x1x16xf32>,
        %get3A_424 = vector.shape_cast %get3A_423 : vector<1x1x16xf32> to vector<16xf32>
        %add3A_425 = arith.addf %get3A_419, %get3A_424 : vector<16xf32>
        %swap3A_426 = arith.index_cast %rem3A_114 : i32 to index
        %swap3A_427 = arith.index_cast %add3A_414 : i32 to index
        %swap3A_428 = tpu.vector_load %arg14[%swap3A_426, %swap3A_427] {strides = array<i32>} : memref<2x1280xf32, #tpu.memory_space<vmem>>, vector<1x16xf32>,
        %swap3A_429 = vector.shape_cast %swap3A_428 : vector<1x16xf32> to vector<16xf32>
        %swap3A_430 = vector.shape_cast %add3A_425 : vector<16xf32> to vector<1x16xf32>
        tpu.vector_store %arg14[%swap3A_426, %swap3A_427], %swap3A_430 {strides = array<i32>} : memref<2x1280xf32, #tpu.memory_space<vmem>>, vector<1x16xf32>,
        %mul3A_431 = arith.constant 128 : i32
        %mul3A_432 = arith.muli %scan3A_158, %mul3A_431 : i32
        %add3A_433 = arith.constant 0 : i32
        %add3A_434 = arith.addi %mul3A_432, %add3A_433 : i32
        %add3A_435 = arith.constant 16 : i32
        %add3A_436 = arith.addi %add3A_434, %add3A_435 : i32
        %get3A_437 = arith.index_cast %rem3A_114 : i32 to index
        %get3A_438 = arith.index_cast %add3A_408 : i32 to index
        %get3A_439 = arith.constant 16 : index
        %get3A_440 = tpu.vector_load %arg10[%get3A_437, %get3A_438, %get3A_439] {strides = array<i32>} : memref<2x80x128xf32, #tpu.memory_space<vmem>>, vector<1x1x16xf32>,
        %get3A_441 = vector.shape_cast %get3A_440 : vector<1x1x16xf32> to vector<16xf32>
        %get3A_442 = arith.index_cast %rem3A_114 : i32 to index
        %get3A_443 = arith.index_cast %add3A_408 : i32 to index
        %get3A_444 = arith.constant 48 : index
        %get3A_445 = tpu.vector_load %arg11[%get3A_442, %get3A_443, %get3A_444] {strides = array<i32>} : memref<2x80x128xf32, #tpu.memory_space<vmem>>, vector<1x1x16xf32>,
        %get3A_446 = vector.shape_cast %get3A_445 : vector<1x1x16xf32> to vector<16xf32>
        %add3A_447 = arith.addf %get3A_441, %get3A_446 : vector<16xf32>
        %swap3A_448 = arith.index_cast %rem3A_114 : i32 to index
        %swap3A_449 = arith.index_cast %add3A_436 : i32 to index
        %swap3A_450 = tpu.vector_load %arg14[%swap3A_448, %swap3A_449] {strides = array<i32>} : memref<2x1280xf32, #tpu.memory_space<vmem>>, vector<1x16xf32>,
        %swap3A_451 = vector.shape_cast %swap3A_450 : vector<1x16xf32> to vector<16xf32>
        %swap3A_452 = vector.shape_cast %add3A_447 : vector<16xf32> to vector<1x16xf32>
        tpu.vector_store %arg14[%swap3A_448, %swap3A_449], %swap3A_452 {strides = array<i32>} : memref<2x1280xf32, #tpu.memory_space<vmem>>, vector<1x16xf32>,
        %mul3A_453 = arith.constant 128 : i32
        %mul3A_454 = arith.muli %scan3A_158, %mul3A_453 : i32
        %add3A_455 = arith.constant 64 : i32
        %add3A_456 = arith.addi %mul3A_454, %add3A_455 : i32
        %get3A_457 = arith.index_cast %rem3A_114 : i32 to index
        %get3A_458 = arith.index_cast %add3A_408 : i32 to index
        %get3A_459 = arith.constant 0 : index
        %get3A_460 = tpu.vector_load %arg12[%get3A_457, %get3A_458, %get3A_459] {strides = array<i32>} : memref<2x80x16xf32, #tpu.memory_space<vmem>>, vector<1x1x16xf32>,
        %get3A_461 = vector.shape_cast %get3A_460 : vector<1x1x16xf32> to vector<16xf32>
        %swap3A_462 = arith.index_cast %rem3A_114 : i32 to index
        %swap3A_463 = arith.index_cast %add3A_456 : i32 to index
        %swap3A_464 = tpu.vector_load %arg15[%swap3A_462, %swap3A_463] {strides = array<i32>} : memref<2x1280xf32, #tpu.memory_space<vmem>>, vector<1x16xf32>,
        %swap3A_465 = vector.shape_cast %swap3A_464 : vector<1x16xf32> to vector<16xf32>
        %swap3A_466 = vector.shape_cast %get3A_461 : vector<16xf32> to vector<1x16xf32>
        tpu.vector_store %arg15[%swap3A_462, %swap3A_463], %swap3A_466 {strides = array<i32>} : memref<2x1280xf32, #tpu.memory_space<vmem>>, vector<1x16xf32>,
        %mul3A_467 = arith.constant 8 : i32
        %mul3A_468 = arith.muli %scan3A_158, %mul3A_467 : i32
        %add3A_469 = arith.constant 5 : i32
        %add3A_470 = arith.addi %mul3A_468, %add3A_469 : i32
        %mul3A_471 = arith.constant 128 : i32
        %mul3A_472 = arith.muli %scan3A_158, %mul3A_471 : i32
        %add3A_473 = arith.constant 32 : i32
        %add3A_474 = arith.addi %mul3A_472, %add3A_473 : i32
        %add3A_475 = arith.constant 0 : i32
        %add3A_476 = arith.addi %add3A_474, %add3A_475 : i32
        %get3A_477 = arith.index_cast %rem3A_114 : i32 to index
        %get3A_478 = arith.index_cast %add3A_470 : i32 to index
        %get3A_479 = arith.constant 0 : index
        %get3A_480 = tpu.vector_load %arg10[%get3A_477, %get3A_478, %get3A_479] {strides = array<i32>} : memref<2x80x128xf32, #tpu.memory_space<vmem>>, vector<1x1x16xf32>,
        %get3A_481 = vector.shape_cast %get3A_480 : vector<1x1x16xf32> to vector<16xf32>
        %get3A_482 = arith.index_cast %rem3A_114 : i32 to index
        %get3A_483 = arith.index_cast %add3A_470 : i32 to index
        %get3A_484 = arith.constant 32 : index
        %get3A_485 = tpu.vector_load %arg11[%get3A_482, %get3A_483, %get3A_484] {strides = array<i32>} : memref<2x80x128xf32, #tpu.memory_space<vmem>>, vector<1x1x16xf32>,
        %get3A_486 = vector.shape_cast %get3A_485 : vector<1x1x16xf32> to vector<16xf32>
        %add3A_487 = arith.addf %get3A_481, %get3A_486 : vector<16xf32>
        %swap3A_488 = arith.index_cast %rem3A_114 : i32 to index
        %swap3A_489 = arith.index_cast %add3A_476 : i32 to index
        %swap3A_490 = tpu.vector_load %arg14[%swap3A_488, %swap3A_489] {strides = array<i32>} : memref<2x1280xf32, #tpu.memory_space<vmem>>, vector<1x16xf32>,
        %swap3A_491 = vector.shape_cast %swap3A_490 : vector<1x16xf32> to vector<16xf32>
        %swap3A_492 = vector.shape_cast %add3A_487 : vector<16xf32> to vector<1x16xf32>
        tpu.vector_store %arg14[%swap3A_488, %swap3A_489], %swap3A_492 {strides = array<i32>} : memref<2x1280xf32, #tpu.memory_space<vmem>>, vector<1x16xf32>,
        %mul3A_493 = arith.constant 128 : i32
        %mul3A_494 = arith.muli %scan3A_158, %mul3A_493 : i32
        %add3A_495 = arith.constant 32 : i32
        %add3A_496 = arith.addi %mul3A_494, %add3A_495 : i32
        %add3A_497 = arith.constant 16 : i32
        %add3A_498 = arith.addi %add3A_496, %add3A_497 : i32
        %get3A_499 = arith.index_cast %rem3A_114 : i32 to index
        %get3A_500 = arith.index_cast %add3A_470 : i32 to index
        %get3A_501 = arith.constant 16 : index
        %get3A_502 = tpu.vector_load %arg10[%get3A_499, %get3A_500, %get3A_501] {strides = array<i32>} : memref<2x80x128xf32, #tpu.memory_space<vmem>>, vector<1x1x16xf32>,
        %get3A_503 = vector.shape_cast %get3A_502 : vector<1x1x16xf32> to vector<16xf32>
        %get3A_504 = arith.index_cast %rem3A_114 : i32 to index
        %get3A_505 = arith.index_cast %add3A_470 : i32 to index
        %get3A_506 = arith.constant 48 : index
        %get3A_507 = tpu.vector_load %arg11[%get3A_504, %get3A_505, %get3A_506] {strides = array<i32>} : memref<2x80x128xf32, #tpu.memory_space<vmem>>, vector<1x1x16xf32>,
        %get3A_508 = vector.shape_cast %get3A_507 : vector<1x1x16xf32> to vector<16xf32>
        %add3A_509 = arith.addf %get3A_503, %get3A_508 : vector<16xf32>
        %swap3A_510 = arith.index_cast %rem3A_114 : i32 to index
        %swap3A_511 = arith.index_cast %add3A_498 : i32 to index
        %swap3A_512 = tpu.vector_load %arg14[%swap3A_510, %swap3A_511] {strides = array<i32>} : memref<2x1280xf32, #tpu.memory_space<vmem>>, vector<1x16xf32>,
        %swap3A_513 = vector.shape_cast %swap3A_512 : vector<1x16xf32> to vector<16xf32>
        %swap3A_514 = vector.shape_cast %add3A_509 : vector<16xf32> to vector<1x16xf32>
        tpu.vector_store %arg14[%swap3A_510, %swap3A_511], %swap3A_514 {strides = array<i32>} : memref<2x1280xf32, #tpu.memory_space<vmem>>, vector<1x16xf32>,
        %mul3A_515 = arith.constant 128 : i32
        %mul3A_516 = arith.muli %scan3A_158, %mul3A_515 : i32
        %add3A_517 = arith.constant 80 : i32
        %add3A_518 = arith.addi %mul3A_516, %add3A_517 : i32
        %get3A_519 = arith.index_cast %rem3A_114 : i32 to index
        %get3A_520 = arith.index_cast %add3A_470 : i32 to index
        %get3A_521 = arith.constant 0 : index
        %get3A_522 = tpu.vector_load %arg12[%get3A_519, %get3A_520, %get3A_521] {strides = array<i32>} : memref<2x80x16xf32, #tpu.memory_space<vmem>>, vector<1x1x16xf32>,
        %get3A_523 = vector.shape_cast %get3A_522 : vector<1x1x16xf32> to vector<16xf32>
        %swap3A_524 = arith.index_cast %rem3A_114 : i32 to index
        %swap3A_525 = arith.index_cast %add3A_518 : i32 to index
        %swap3A_526 = tpu.vector_load %arg15[%swap3A_524, %swap3A_525] {strides = array<i32>} : memref<2x1280xf32, #tpu.memory_space<vmem>>, vector<1x16xf32>,
        %swap3A_527 = vector.shape_cast %swap3A_526 : vector<1x16xf32> to vector<16xf32>
        %swap3A_528 = vector.shape_cast %get3A_523 : vector<16xf32> to vector<1x16xf32>
        tpu.vector_store %arg15[%swap3A_524, %swap3A_525], %swap3A_528 {strides = array<i32>} : memref<2x1280xf32, #tpu.memory_space<vmem>>, vector<1x16xf32>,
        %mul3A_529 = arith.constant 8 : i32
        %mul3A_530 = arith.muli %scan3A_158, %mul3A_529 : i32
        %add3A_531 = arith.constant 6 : i32
        %add3A_532 = arith.addi %mul3A_530, %add3A_531 : i32
        %mul3A_533 = arith.constant 128 : i32
        %mul3A_534 = arith.muli %scan3A_158, %mul3A_533 : i32
        %add3A_535 = arith.constant 64 : i32
        %add3A_536 = arith.addi %mul3A_534, %add3A_535 : i32
        %add3A_537 = arith.constant 0 : i32
        %add3A_538 = arith.addi %add3A_536, %add3A_537 : i32
        %get3A_539 = arith.index_cast %rem3A_114 : i32 to index
        %get3A_540 = arith.index_cast %add3A_532 : i32 to index
        %get3A_541 = arith.constant 0 : index
        %get3A_542 = tpu.vector_load %arg10[%get3A_539, %get3A_540, %get3A_541] {strides = array<i32>} : memref<2x80x128xf32, #tpu.memory_space<vmem>>, vector<1x1x16xf32>,
        %get3A_543 = vector.shape_cast %get3A_542 : vector<1x1x16xf32> to vector<16xf32>
        %get3A_544 = arith.index_cast %rem3A_114 : i32 to index
        %get3A_545 = arith.index_cast %add3A_532 : i32 to index
        %get3A_546 = arith.constant 32 : index
        %get3A_547 = tpu.vector_load %arg11[%get3A_544, %get3A_545, %get3A_546] {strides = array<i32>} : memref<2x80x128xf32, #tpu.memory_space<vmem>>, vector<1x1x16xf32>,
        %get3A_548 = vector.shape_cast %get3A_547 : vector<1x1x16xf32> to vector<16xf32>
        %add3A_549 = arith.addf %get3A_543, %get3A_548 : vector<16xf32>
        %swap3A_550 = arith.index_cast %rem3A_114 : i32 to index
        %swap3A_551 = arith.index_cast %add3A_538 : i32 to index
        %swap3A_552 = tpu.vector_load %arg14[%swap3A_550, %swap3A_551] {strides = array<i32>} : memref<2x1280xf32, #tpu.memory_space<vmem>>, vector<1x16xf32>,
        %swap3A_553 = vector.shape_cast %swap3A_552 : vector<1x16xf32> to vector<16xf32>
        %swap3A_554 = vector.shape_cast %add3A_549 : vector<16xf32> to vector<1x16xf32>
        tpu.vector_store %arg14[%swap3A_550, %swap3A_551], %swap3A_554 {strides = array<i32>} : memref<2x1280xf32, #tpu.memory_space<vmem>>, vector<1x16xf32>,
        %mul3A_555 = arith.constant 128 : i32
        %mul3A_556 = arith.muli %scan3A_158, %mul3A_555 : i32
        %add3A_557 = arith.constant 64 : i32
        %add3A_558 = arith.addi %mul3A_556, %add3A_557 : i32
        %add3A_559 = arith.constant 16 : i32
        %add3A_560 = arith.addi %add3A_558, %add3A_559 : i32
        %get3A_561 = arith.index_cast %rem3A_114 : i32 to index
        %get3A_562 = arith.index_cast %add3A_532 : i32 to index
        %get3A_563 = arith.constant 16 : index
        %get3A_564 = tpu.vector_load %arg10[%get3A_561, %get3A_562, %get3A_563] {strides = array<i32>} : memref<2x80x128xf32, #tpu.memory_space<vmem>>, vector<1x1x16xf32>,
        %get3A_565 = vector.shape_cast %get3A_564 : vector<1x1x16xf32> to vector<16xf32>
        %get3A_566 = arith.index_cast %rem3A_114 : i32 to index
        %get3A_567 = arith.index_cast %add3A_532 : i32 to index
        %get3A_568 = arith.constant 48 : index
        %get3A_569 = tpu.vector_load %arg11[%get3A_566, %get3A_567, %get3A_568] {strides = array<i32>} : memref<2x80x128xf32, #tpu.memory_space<vmem>>, vector<1x1x16xf32>,
        %get3A_570 = vector.shape_cast %get3A_569 : vector<1x1x16xf32> to vector<16xf32>
        %add3A_571 = arith.addf %get3A_565, %get3A_570 : vector<16xf32>
        %swap3A_572 = arith.index_cast %rem3A_114 : i32 to index
        %swap3A_573 = arith.index_cast %add3A_560 : i32 to index
        %swap3A_574 = tpu.vector_load %arg14[%swap3A_572, %swap3A_573] {strides = array<i32>} : memref<2x1280xf32, #tpu.memory_space<vmem>>, vector<1x16xf32>,
        %swap3A_575 = vector.shape_cast %swap3A_574 : vector<1x16xf32> to vector<16xf32>
        %swap3A_576 = vector.shape_cast %add3A_571 : vector<16xf32> to vector<1x16xf32>
        tpu.vector_store %arg14[%swap3A_572, %swap3A_573], %swap3A_576 {strides = array<i32>} : memref<2x1280xf32, #tpu.memory_space<vmem>>, vector<1x16xf32>,
        %mul3A_577 = arith.constant 128 : i32
        %mul3A_578 = arith.muli %scan3A_158, %mul3A_577 : i32
        %add3A_579 = arith.constant 96 : i32
        %add3A_580 = arith.addi %mul3A_578, %add3A_579 : i32
        %get3A_581 = arith.index_cast %rem3A_114 : i32 to index
        %get3A_582 = arith.index_cast %add3A_532 : i32 to index
        %get3A_583 = arith.constant 0 : index
        %get3A_584 = tpu.vector_load %arg12[%get3A_581, %get3A_582, %get3A_583] {strides = array<i32>} : memref<2x80x16xf32, #tpu.memory_space<vmem>>, vector<1x1x16xf32>,
        %get3A_585 = vector.shape_cast %get3A_584 : vector<1x1x16xf32> to vector<16xf32>
        %swap3A_586 = arith.index_cast %rem3A_114 : i32 to index
        %swap3A_587 = arith.index_cast %add3A_580 : i32 to index
        %swap3A_588 = tpu.vector_load %arg15[%swap3A_586, %swap3A_587] {strides = array<i32>} : memref<2x1280xf32, #tpu.memory_space<vmem>>, vector<1x16xf32>,
        %swap3A_589 = vector.shape_cast %swap3A_588 : vector<1x16xf32> to vector<16xf32>
        %swap3A_590 = vector.shape_cast %get3A_585 : vector<16xf32> to vector<1x16xf32>
        tpu.vector_store %arg15[%swap3A_586, %swap3A_587], %swap3A_590 {strides = array<i32>} : memref<2x1280xf32, #tpu.memory_space<vmem>>, vector<1x16xf32>,
        %mul3A_591 = arith.constant 8 : i32
        %mul3A_592 = arith.muli %scan3A_158, %mul3A_591 : i32
        %add3A_593 = arith.constant 7 : i32
        %add3A_594 = arith.addi %mul3A_592, %add3A_593 : i32
        %mul3A_595 = arith.constant 128 : i32
        %mul3A_596 = arith.muli %scan3A_158, %mul3A_595 : i32
        %add3A_597 = arith.constant 96 : i32
        %add3A_598 = arith.addi %mul3A_596, %add3A_597 : i32
        %add3A_599 = arith.constant 0 : i32
        %add3A_600 = arith.addi %add3A_598, %add3A_599 : i32
        %get3A_601 = arith.index_cast %rem3A_114 : i32 to index
        %get3A_602 = arith.index_cast %add3A_594 : i32 to index
        %get3A_603 = arith.constant 0 : index
        %get3A_604 = tpu.vector_load %arg10[%get3A_601, %get3A_602, %get3A_603] {strides = array<i32>} : memref<2x80x128xf32, #tpu.memory_space<vmem>>, vector<1x1x16xf32>,
        %get3A_605 = vector.shape_cast %get3A_604 : vector<1x1x16xf32> to vector<16xf32>
        %get3A_606 = arith.index_cast %rem3A_114 : i32 to index
        %get3A_607 = arith.index_cast %add3A_594 : i32 to index
        %get3A_608 = arith.constant 32 : index
        %get3A_609 = tpu.vector_load %arg11[%get3A_606, %get3A_607, %get3A_608] {strides = array<i32>} : memref<2x80x128xf32, #tpu.memory_space<vmem>>, vector<1x1x16xf32>,
        %get3A_610 = vector.shape_cast %get3A_609 : vector<1x1x16xf32> to vector<16xf32>
        %add3A_611 = arith.addf %get3A_605, %get3A_610 : vector<16xf32>
        %swap3A_612 = arith.index_cast %rem3A_114 : i32 to index
        %swap3A_613 = arith.index_cast %add3A_600 : i32 to index
        %swap3A_614 = tpu.vector_load %arg14[%swap3A_612, %swap3A_613] {strides = array<i32>} : memref<2x1280xf32, #tpu.memory_space<vmem>>, vector<1x16xf32>,
        %swap3A_615 = vector.shape_cast %swap3A_614 : vector<1x16xf32> to vector<16xf32>
        %swap3A_616 = vector.shape_cast %add3A_611 : vector<16xf32> to vector<1x16xf32>
        tpu.vector_store %arg14[%swap3A_612, %swap3A_613], %swap3A_616 {strides = array<i32>} : memref<2x1280xf32, #tpu.memory_space<vmem>>, vector<1x16xf32>,
        %mul3A_617 = arith.constant 128 : i32
        %mul3A_618 = arith.muli %scan3A_158, %mul3A_617 : i32
        %add3A_619 = arith.constant 96 : i32
        %add3A_620 = arith.addi %mul3A_618, %add3A_619 : i32
        %add3A_621 = arith.constant 16 : i32
        %add3A_622 = arith.addi %add3A_620, %add3A_621 : i32
        %get3A_623 = arith.index_cast %rem3A_114 : i32 to index
        %get3A_624 = arith.index_cast %add3A_594 : i32 to index
        %get3A_625 = arith.constant 16 : index
        %get3A_626 = tpu.vector_load %arg10[%get3A_623, %get3A_624, %get3A_625] {strides = array<i32>} : memref<2x80x128xf32, #tpu.memory_space<vmem>>, vector<1x1x16xf32>,
        %get3A_627 = vector.shape_cast %get3A_626 : vector<1x1x16xf32> to vector<16xf32>
        %get3A_628 = arith.index_cast %rem3A_114 : i32 to index
        %get3A_629 = arith.index_cast %add3A_594 : i32 to index
        %get3A_630 = arith.constant 48 : index
        %get3A_631 = tpu.vector_load %arg11[%get3A_628, %get3A_629, %get3A_630] {strides = array<i32>} : memref<2x80x128xf32, #tpu.memory_space<vmem>>, vector<1x1x16xf32>,
        %get3A_632 = vector.shape_cast %get3A_631 : vector<1x1x16xf32> to vector<16xf32>
        %add3A_633 = arith.addf %get3A_627, %get3A_632 : vector<16xf32>
        %swap3A_634 = arith.index_cast %rem3A_114 : i32 to index
        %swap3A_635 = arith.index_cast %add3A_622 : i32 to index
        %swap3A_636 = tpu.vector_load %arg14[%swap3A_634, %swap3A_635] {strides = array<i32>} : memref<2x1280xf32, #tpu.memory_space<vmem>>, vector<1x16xf32>,
        %swap3A_637 = vector.shape_cast %swap3A_636 : vector<1x16xf32> to vector<16xf32>
        %swap3A_638 = vector.shape_cast %add3A_633 : vector<16xf32> to vector<1x16xf32>
        tpu.vector_store %arg14[%swap3A_634, %swap3A_635], %swap3A_638 {strides = array<i32>} : memref<2x1280xf32, #tpu.memory_space<vmem>>, vector<1x16xf32>,
        %mul3A_639 = arith.constant 128 : i32
        %mul3A_640 = arith.muli %scan3A_158, %mul3A_639 : i32
        %add3A_641 = arith.constant 112 : i32
        %add3A_642 = arith.addi %mul3A_640, %add3A_641 : i32
        %get3A_643 = arith.index_cast %rem3A_114 : i32 to index
        %get3A_644 = arith.index_cast %add3A_594 : i32 to index
        %get3A_645 = arith.constant 0 : index
        %get3A_646 = tpu.vector_load %arg12[%get3A_643, %get3A_644, %get3A_645] {strides = array<i32>} : memref<2x80x16xf32, #tpu.memory_space<vmem>>, vector<1x1x16xf32>,
        %get3A_647 = vector.shape_cast %get3A_646 : vector<1x1x16xf32> to vector<16xf32>
        %swap3A_648 = arith.index_cast %rem3A_114 : i32 to index
        %swap3A_649 = arith.index_cast %add3A_642 : i32 to index
        %swap3A_650 = tpu.vector_load %arg15[%swap3A_648, %swap3A_649] {strides = array<i32>} : memref<2x1280xf32, #tpu.memory_space<vmem>>, vector<1x16xf32>,
        %swap3A_651 = vector.shape_cast %swap3A_650 : vector<1x16xf32> to vector<16xf32>
        %swap3A_652 = vector.shape_cast %get3A_647 : vector<16xf32> to vector<1x16xf32>
        tpu.vector_store %arg15[%swap3A_648, %swap3A_649], %swap3A_652 {strides = array<i32>} : memref<2x1280xf32, #tpu.memory_space<vmem>>, vector<1x16xf32>,
      }
      %scan3A_147 = arith.constant 10 : i32
      %eq3A_148 = arith.constant 0 : i32
      %eq3A_149 = arith.cmpi eq, %rem3A_114, %eq3A_148 : i32
      %convert_element_type3A_150 = arith.extui %eq3A_149 : i1 to i32
      %cond3A_151 = arith.constant 0 : i32
      %cond3A_152 = arith.cmpi ne, %convert_element_type3A_150, %cond3A_151 : i32
      scf.if %cond3A_152 {
        %mul3A_158 = arith.constant 1250 : i32
        %mul3A_159 = arith.muli %add3A, %mul3A_158 : i32
        %mul3A_160 = arith.constant 10 : i32
        %mul3A_161 = arith.muli %scan3A_113, %mul3A_160 : i32
        %add3A_162 = arith.addi %mul3A_159, %mul3A_161 : i32
        %mul3A_163 = arith.constant 128 : i32
        %mul3A_164 = arith.muli %add3A_162, %mul3A_163 : i32
        %dma_start3A_165 = arith.constant 0 : i32
        %dma_start3A_166 = arith.constant 0 : i32
        %dma_start3A_167 = tpu.memref_slice %arg13[%dma_start3A_165, %dma_start3A_166] : memref<2x1280xf32, #tpu.memory_space<vmem>> -> memref<1x1280xf32, #tpu.memory_space<vmem>>
        %dma_start3A_168 = tpu.memref_squeeze %dma_start3A_167 : memref<1x1280xf32, #tpu.memory_space<vmem>> -> memref<1280xf32, #tpu.memory_space<vmem>>
        %dma_start3A_169 = tpu.memref_slice %arg5[%mul3A_164] : memref<5120000xf32, #tpu.memory_space<hbm>> -> memref<1280xf32, #tpu.memory_space<hbm>>
        %dma_start3A_170 = tpu.memref_slice %arg5[%mul3A_164] : memref<5120000xf32, #tpu.memory_space<hbm>> -> memref<1280xf32, #tpu.memory_space<hbm>>
        %dma_start3A_171 = arith.constant 0 : i32
        %dma_start3A_172 = tpu.memref_slice %arg13[%dma_start3A_165, %dma_start3A_171] : memref<2x1280xf32, #tpu.memory_space<vmem>> -> memref<1x1280xf32, #tpu.memory_space<vmem>>
        %dma_start3A_173 = tpu.memref_squeeze %dma_start3A_172 : memref<1x1280xf32, #tpu.memory_space<vmem>> -> memref<1280xf32, #tpu.memory_space<vmem>>
        tpu.enqueue_dma source(%dma_start3A_173 : memref<1280xf32, #tpu.memory_space<vmem>>) target(%dma_start3A_170 : memref<1280xf32, #tpu.memory_space<hbm>>) target_semaphore(%arg18 : memref<!tpu.dma_semaphore, #tpu.memory_space<semaphore_mem>>)
        %dma_start3A_174 = arith.constant 0 : i32
        %dma_start3A_175 = arith.constant 0 : i32
        %dma_start3A_176 = tpu.memref_slice %arg14[%dma_start3A_174, %dma_start3A_175] : memref<2x1280xf32, #tpu.memory_space<vmem>> -> memref<1x1280xf32, #tpu.memory_space<vmem>>
        %dma_start3A_177 = tpu.memref_squeeze %dma_start3A_176 : memref<1x1280xf32, #tpu.memory_space<vmem>> -> memref<1280xf32, #tpu.memory_space<vmem>>
        %dma_start3A_178 = tpu.memref_slice %arg6[%mul3A_164] : memref<5120000xf32, #tpu.memory_space<hbm>> -> memref<1280xf32, #tpu.memory_space<hbm>>
        %dma_start3A_179 = tpu.memref_slice %arg6[%mul3A_164] : memref<5120000xf32, #tpu.memory_space<hbm>> -> memref<1280xf32, #tpu.memory_space<hbm>>
        %dma_start3A_180 = arith.constant 0 : i32
        %dma_start3A_181 = tpu.memref_slice %arg14[%dma_start3A_174, %dma_start3A_180] : memref<2x1280xf32, #tpu.memory_space<vmem>> -> memref<1x1280xf32, #tpu.memory_space<vmem>>
        %dma_start3A_182 = tpu.memref_squeeze %dma_start3A_181 : memref<1x1280xf32, #tpu.memory_space<vmem>> -> memref<1280xf32, #tpu.memory_space<vmem>>
        tpu.enqueue_dma source(%dma_start3A_182 : memref<1280xf32, #tpu.memory_space<vmem>>) target(%dma_start3A_179 : memref<1280xf32, #tpu.memory_space<hbm>>) target_semaphore(%arg18 : memref<!tpu.dma_semaphore, #tpu.memory_space<semaphore_mem>>)
        %dma_start3A_183 = arith.constant 0 : i32
        %dma_start3A_184 = arith.constant 0 : i32
        %dma_start3A_185 = tpu.memref_slice %arg15[%dma_start3A_183, %dma_start3A_184] : memref<2x1280xf32, #tpu.memory_space<vmem>> -> memref<1x1280xf32, #tpu.memory_space<vmem>>
        %dma_start3A_186 = tpu.memref_squeeze %dma_start3A_185 : memref<1x1280xf32, #tpu.memory_space<vmem>> -> memref<1280xf32, #tpu.memory_space<vmem>>
        %dma_start3A_187 = tpu.memref_slice %arg7[%mul3A_164] : memref<5120000xf32, #tpu.memory_space<hbm>> -> memref<1280xf32, #tpu.memory_space<hbm>>
        %dma_start3A_188 = tpu.memref_slice %arg7[%mul3A_164] : memref<5120000xf32, #tpu.memory_space<hbm>> -> memref<1280xf32, #tpu.memory_space<hbm>>
        %dma_start3A_189 = arith.constant 0 : i32
        %dma_start3A_190 = tpu.memref_slice %arg15[%dma_start3A_183, %dma_start3A_189] : memref<2x1280xf32, #tpu.memory_space<vmem>> -> memref<1x1280xf32, #tpu.memory_space<vmem>>
        %dma_start3A_191 = tpu.memref_squeeze %dma_start3A_190 : memref<1x1280xf32, #tpu.memory_space<vmem>> -> memref<1280xf32, #tpu.memory_space<vmem>>
        tpu.enqueue_dma source(%dma_start3A_191 : memref<1280xf32, #tpu.memory_space<vmem>>) target(%dma_start3A_188 : memref<1280xf32, #tpu.memory_space<hbm>>) target_semaphore(%arg18 : memref<!tpu.dma_semaphore, #tpu.memory_space<semaphore_mem>>)
      } else {
      }
      %eq3A_153 = arith.constant 1 : i32
      %eq3A_154 = arith.cmpi eq, %rem3A_114, %eq3A_153 : i32
      %convert_element_type3A_155 = arith.extui %eq3A_154 : i1 to i32
      %cond3A_156 = arith.constant 0 : i32
      %cond3A_157 = arith.cmpi ne, %convert_element_type3A_155, %cond3A_156 : i32
      scf.if %cond3A_157 {
        %mul3A_158 = arith.constant 1250 : i32
        %mul3A_159 = arith.muli %add3A, %mul3A_158 : i32
        %mul3A_160 = arith.constant 10 : i32
        %mul3A_161 = arith.muli %scan3A_113, %mul3A_160 : i32
        %add3A_162 = arith.addi %mul3A_159, %mul3A_161 : i32
        %mul3A_163 = arith.constant 128 : i32
        %mul3A_164 = arith.muli %add3A_162, %mul3A_163 : i32
        %dma_start3A_165 = arith.constant 1 : i32
        %dma_start3A_166 = arith.constant 0 : i32
        %dma_start3A_167 = tpu.memref_slice %arg13[%dma_start3A_165, %dma_start3A_166] : memref<2x1280xf32, #tpu.memory_space<vmem>> -> memref<1x1280xf32, #tpu.memory_space<vmem>>
        %dma_start3A_168 = tpu.memref_squeeze %dma_start3A_167 : memref<1x1280xf32, #tpu.memory_space<vmem>> -> memref<1280xf32, #tpu.memory_space<vmem>>
        %dma_start3A_169 = tpu.memref_slice %arg5[%mul3A_164] : memref<5120000xf32, #tpu.memory_space<hbm>> -> memref<1280xf32, #tpu.memory_space<hbm>>
        %dma_start3A_170 = tpu.memref_slice %arg5[%mul3A_164] : memref<5120000xf32, #tpu.memory_space<hbm>> -> memref<1280xf32, #tpu.memory_space<hbm>>
        %dma_start3A_171 = arith.constant 0 : i32
        %dma_start3A_172 = tpu.memref_slice %arg13[%dma_start3A_165, %dma_start3A_171] : memref<2x1280xf32, #tpu.memory_space<vmem>> -> memref<1x1280xf32, #tpu.memory_space<vmem>>
        %dma_start3A_173 = tpu.memref_squeeze %dma_start3A_172 : memref<1x1280xf32, #tpu.memory_space<vmem>> -> memref<1280xf32, #tpu.memory_space<vmem>>
        tpu.enqueue_dma source(%dma_start3A_173 : memref<1280xf32, #tpu.memory_space<vmem>>) target(%dma_start3A_170 : memref<1280xf32, #tpu.memory_space<hbm>>) target_semaphore(%arg19 : memref<!tpu.dma_semaphore, #tpu.memory_space<semaphore_mem>>)
        %dma_start3A_174 = arith.constant 1 : i32
        %dma_start3A_175 = arith.constant 0 : i32
        %dma_start3A_176 = tpu.memref_slice %arg14[%dma_start3A_174, %dma_start3A_175] : memref<2x1280xf32, #tpu.memory_space<vmem>> -> memref<1x1280xf32, #tpu.memory_space<vmem>>
        %dma_start3A_177 = tpu.memref_squeeze %dma_start3A_176 : memref<1x1280xf32, #tpu.memory_space<vmem>> -> memref<1280xf32, #tpu.memory_space<vmem>>
        %dma_start3A_178 = tpu.memref_slice %arg6[%mul3A_164] : memref<5120000xf32, #tpu.memory_space<hbm>> -> memref<1280xf32, #tpu.memory_space<hbm>>
        %dma_start3A_179 = tpu.memref_slice %arg6[%mul3A_164] : memref<5120000xf32, #tpu.memory_space<hbm>> -> memref<1280xf32, #tpu.memory_space<hbm>>
        %dma_start3A_180 = arith.constant 0 : i32
        %dma_start3A_181 = tpu.memref_slice %arg14[%dma_start3A_174, %dma_start3A_180] : memref<2x1280xf32, #tpu.memory_space<vmem>> -> memref<1x1280xf32, #tpu.memory_space<vmem>>
        %dma_start3A_182 = tpu.memref_squeeze %dma_start3A_181 : memref<1x1280xf32, #tpu.memory_space<vmem>> -> memref<1280xf32, #tpu.memory_space<vmem>>
        tpu.enqueue_dma source(%dma_start3A_182 : memref<1280xf32, #tpu.memory_space<vmem>>) target(%dma_start3A_179 : memref<1280xf32, #tpu.memory_space<hbm>>) target_semaphore(%arg19 : memref<!tpu.dma_semaphore, #tpu.memory_space<semaphore_mem>>)
        %dma_start3A_183 = arith.constant 1 : i32
        %dma_start3A_184 = arith.constant 0 : i32
        %dma_start3A_185 = tpu.memref_slice %arg15[%dma_start3A_183, %dma_start3A_184] : memref<2x1280xf32, #tpu.memory_space<vmem>> -> memref<1x1280xf32, #tpu.memory_space<vmem>>
        %dma_start3A_186 = tpu.memref_squeeze %dma_start3A_185 : memref<1x1280xf32, #tpu.memory_space<vmem>> -> memref<1280xf32, #tpu.memory_space<vmem>>
        %dma_start3A_187 = tpu.memref_slice %arg7[%mul3A_164] : memref<5120000xf32, #tpu.memory_space<hbm>> -> memref<1280xf32, #tpu.memory_space<hbm>>
        %dma_start3A_188 = tpu.memref_slice %arg7[%mul3A_164] : memref<5120000xf32, #tpu.memory_space<hbm>> -> memref<1280xf32, #tpu.memory_space<hbm>>
        %dma_start3A_189 = arith.constant 0 : i32
        %dma_start3A_190 = tpu.memref_slice %arg15[%dma_start3A_183, %dma_start3A_189] : memref<2x1280xf32, #tpu.memory_space<vmem>> -> memref<1x1280xf32, #tpu.memory_space<vmem>>
        %dma_start3A_191 = tpu.memref_squeeze %dma_start3A_190 : memref<1x1280xf32, #tpu.memory_space<vmem>> -> memref<1280xf32, #tpu.memory_space<vmem>>
        tpu.enqueue_dma source(%dma_start3A_191 : memref<1280xf32, #tpu.memory_space<vmem>>) target(%dma_start3A_188 : memref<1280xf32, #tpu.memory_space<hbm>>) target_semaphore(%arg19 : memref<!tpu.dma_semaphore, #tpu.memory_space<semaphore_mem>>)
      } else {
      }
    }
    %scan3A_47 = arith.constant 125 : i32
    %mul3A_48 = arith.constant 1250 : i32
    %mul3A_49 = arith.muli %add3A, %mul3A_48 : i32
    %add3A_50 = arith.constant 1230 : i32
    %add3A_51 = arith.addi %mul3A_49, %add3A_50 : i32
    %mul3A_52 = arith.constant 128 : i32
    %mul3A_53 = arith.muli %add3A_51, %mul3A_52 : i32
    %dma_wait3A = arith.constant 0 : i32
    %dma_wait3A_54 = arith.constant 0 : i32
    %dma_wait3A_55 = tpu.memref_slice %arg13[%dma_wait3A, %dma_wait3A_54] : memref<2x1280xf32, #tpu.memory_space<vmem>> -> memref<1x1280xf32, #tpu.memory_space<vmem>>
    %dma_wait3A_56 = tpu.memref_squeeze %dma_wait3A_55 : memref<1x1280xf32, #tpu.memory_space<vmem>> -> memref<1280xf32, #tpu.memory_space<vmem>>
    %dma_wait3A_57 = tpu.memref_slice %arg5[%mul3A_53] : memref<5120000xf32, #tpu.memory_space<hbm>> -> memref<1280xf32, #tpu.memory_space<hbm>>
    %dma_wait3A_58 = tpu.memref_slice %arg5[%mul3A_53] : memref<5120000xf32, #tpu.memory_space<hbm>> -> memref<1280xf32, #tpu.memory_space<hbm>>
    %dma_wait3A_59 = arith.constant 0 : i32
    %dma_wait3A_60 = tpu.memref_slice %arg13[%dma_wait3A, %dma_wait3A_59] : memref<2x1280xf32, #tpu.memory_space<vmem>> -> memref<1x1280xf32, #tpu.memory_space<vmem>>
    %dma_wait3A_61 = tpu.memref_squeeze %dma_wait3A_60 : memref<1x1280xf32, #tpu.memory_space<vmem>> -> memref<1280xf32, #tpu.memory_space<vmem>>
    tpu.wait_dma2 semaphore(%arg18 : memref<!tpu.dma_semaphore, #tpu.memory_space<semaphore_mem>>) src(%dma_wait3A_61 : memref<1280xf32, #tpu.memory_space<vmem>>) dst(%dma_wait3A_58 : memref<1280xf32, #tpu.memory_space<hbm>>)
    %dma_wait3A_62 = arith.constant 0 : i32
    %dma_wait3A_63 = arith.constant 0 : i32
    %dma_wait3A_64 = tpu.memref_slice %arg14[%dma_wait3A_62, %dma_wait3A_63] : memref<2x1280xf32, #tpu.memory_space<vmem>> -> memref<1x1280xf32, #tpu.memory_space<vmem>>
    %dma_wait3A_65 = tpu.memref_squeeze %dma_wait3A_64 : memref<1x1280xf32, #tpu.memory_space<vmem>> -> memref<1280xf32, #tpu.memory_space<vmem>>
    %dma_wait3A_66 = tpu.memref_slice %arg6[%mul3A_53] : memref<5120000xf32, #tpu.memory_space<hbm>> -> memref<1280xf32, #tpu.memory_space<hbm>>
    %dma_wait3A_67 = tpu.memref_slice %arg6[%mul3A_53] : memref<5120000xf32, #tpu.memory_space<hbm>> -> memref<1280xf32, #tpu.memory_space<hbm>>
    %dma_wait3A_68 = arith.constant 0 : i32
    %dma_wait3A_69 = tpu.memref_slice %arg14[%dma_wait3A_62, %dma_wait3A_68] : memref<2x1280xf32, #tpu.memory_space<vmem>> -> memref<1x1280xf32, #tpu.memory_space<vmem>>
    %dma_wait3A_70 = tpu.memref_squeeze %dma_wait3A_69 : memref<1x1280xf32, #tpu.memory_space<vmem>> -> memref<1280xf32, #tpu.memory_space<vmem>>
    tpu.wait_dma2 semaphore(%arg18 : memref<!tpu.dma_semaphore, #tpu.memory_space<semaphore_mem>>) src(%dma_wait3A_70 : memref<1280xf32, #tpu.memory_space<vmem>>) dst(%dma_wait3A_67 : memref<1280xf32, #tpu.memory_space<hbm>>)
    %dma_wait3A_71 = arith.constant 0 : i32
    %dma_wait3A_72 = arith.constant 0 : i32
    %dma_wait3A_73 = tpu.memref_slice %arg15[%dma_wait3A_71, %dma_wait3A_72] : memref<2x1280xf32, #tpu.memory_space<vmem>> -> memref<1x1280xf32, #tpu.memory_space<vmem>>
    %dma_wait3A_74 = tpu.memref_squeeze %dma_wait3A_73 : memref<1x1280xf32, #tpu.memory_space<vmem>> -> memref<1280xf32, #tpu.memory_space<vmem>>
    %dma_wait3A_75 = tpu.memref_slice %arg7[%mul3A_53] : memref<5120000xf32, #tpu.memory_space<hbm>> -> memref<1280xf32, #tpu.memory_space<hbm>>
    %dma_wait3A_76 = tpu.memref_slice %arg7[%mul3A_53] : memref<5120000xf32, #tpu.memory_space<hbm>> -> memref<1280xf32, #tpu.memory_space<hbm>>
    %dma_wait3A_77 = arith.constant 0 : i32
    %dma_wait3A_78 = tpu.memref_slice %arg15[%dma_wait3A_71, %dma_wait3A_77] : memref<2x1280xf32, #tpu.memory_space<vmem>> -> memref<1x1280xf32, #tpu.memory_space<vmem>>
    %dma_wait3A_79 = tpu.memref_squeeze %dma_wait3A_78 : memref<1x1280xf32, #tpu.memory_space<vmem>> -> memref<1280xf32, #tpu.memory_space<vmem>>
    tpu.wait_dma2 semaphore(%arg18 : memref<!tpu.dma_semaphore, #tpu.memory_space<semaphore_mem>>) src(%dma_wait3A_79 : memref<1280xf32, #tpu.memory_space<vmem>>) dst(%dma_wait3A_76 : memref<1280xf32, #tpu.memory_space<hbm>>)
    %mul3A_80 = arith.constant 1250 : i32
    %mul3A_81 = arith.muli %add3A, %mul3A_80 : i32
    %add3A_82 = arith.constant 1240 : i32
    %add3A_83 = arith.addi %mul3A_81, %add3A_82 : i32
    %mul3A_84 = arith.constant 128 : i32
    %mul3A_85 = arith.muli %add3A_83, %mul3A_84 : i32
    %dma_wait3A_86 = arith.constant 1 : i32
    %dma_wait3A_87 = arith.constant 0 : i32
    %dma_wait3A_88 = tpu.memref_slice %arg13[%dma_wait3A_86, %dma_wait3A_87] : memref<2x1280xf32, #tpu.memory_space<vmem>> -> memref<1x1280xf32, #tpu.memory_space<vmem>>
    %dma_wait3A_89 = tpu.memref_squeeze %dma_wait3A_88 : memref<1x1280xf32, #tpu.memory_space<vmem>> -> memref<1280xf32, #tpu.memory_space<vmem>>
    %dma_wait3A_90 = tpu.memref_slice %arg5[%mul3A_85] : memref<5120000xf32, #tpu.memory_space<hbm>> -> memref<1280xf32, #tpu.memory_space<hbm>>
    %dma_wait3A_91 = tpu.memref_slice %arg5[%mul3A_85] : memref<5120000xf32, #tpu.memory_space<hbm>> -> memref<1280xf32, #tpu.memory_space<hbm>>
    %dma_wait3A_92 = arith.constant 0 : i32
    %dma_wait3A_93 = tpu.memref_slice %arg13[%dma_wait3A_86, %dma_wait3A_92] : memref<2x1280xf32, #tpu.memory_space<vmem>> -> memref<1x1280xf32, #tpu.memory_space<vmem>>
    %dma_wait3A_94 = tpu.memref_squeeze %dma_wait3A_93 : memref<1x1280xf32, #tpu.memory_space<vmem>> -> memref<1280xf32, #tpu.memory_space<vmem>>
    tpu.wait_dma2 semaphore(%arg19 : memref<!tpu.dma_semaphore, #tpu.memory_space<semaphore_mem>>) src(%dma_wait3A_94 : memref<1280xf32, #tpu.memory_space<vmem>>) dst(%dma_wait3A_91 : memref<1280xf32, #tpu.memory_space<hbm>>)
    %dma_wait3A_95 = arith.constant 1 : i32
    %dma_wait3A_96 = arith.constant 0 : i32
    %dma_wait3A_97 = tpu.memref_slice %arg14[%dma_wait3A_95, %dma_wait3A_96] : memref<2x1280xf32, #tpu.memory_space<vmem>> -> memref<1x1280xf32, #tpu.memory_space<vmem>>
    %dma_wait3A_98 = tpu.memref_squeeze %dma_wait3A_97 : memref<1x1280xf32, #tpu.memory_space<vmem>> -> memref<1280xf32, #tpu.memory_space<vmem>>
    %dma_wait3A_99 = tpu.memref_slice %arg6[%mul3A_85] : memref<5120000xf32, #tpu.memory_space<hbm>> -> memref<1280xf32, #tpu.memory_space<hbm>>
    %dma_wait3A_100 = tpu.memref_slice %arg6[%mul3A_85] : memref<5120000xf32, #tpu.memory_space<hbm>> -> memref<1280xf32, #tpu.memory_space<hbm>>
    %dma_wait3A_101 = arith.constant 0 : i32
    %dma_wait3A_102 = tpu.memref_slice %arg14[%dma_wait3A_95, %dma_wait3A_101] : memref<2x1280xf32, #tpu.memory_space<vmem>> -> memref<1x1280xf32, #tpu.memory_space<vmem>>
    %dma_wait3A_103 = tpu.memref_squeeze %dma_wait3A_102 : memref<1x1280xf32, #tpu.memory_space<vmem>> -> memref<1280xf32, #tpu.memory_space<vmem>>
    tpu.wait_dma2 semaphore(%arg19 : memref<!tpu.dma_semaphore, #tpu.memory_space<semaphore_mem>>) src(%dma_wait3A_103 : memref<1280xf32, #tpu.memory_space<vmem>>) dst(%dma_wait3A_100 : memref<1280xf32, #tpu.memory_space<hbm>>)
    %dma_wait3A_104 = arith.constant 1 : i32
    %dma_wait3A_105 = arith.constant 0 : i32
    %dma_wait3A_106 = tpu.memref_slice %arg15[%dma_wait3A_104, %dma_wait3A_105] : memref<2x1280xf32, #tpu.memory_space<vmem>> -> memref<1x1280xf32, #tpu.memory_space<vmem>>
    %dma_wait3A_107 = tpu.memref_squeeze %dma_wait3A_106 : memref<1x1280xf32, #tpu.memory_space<vmem>> -> memref<1280xf32, #tpu.memory_space<vmem>>
    %dma_wait3A_108 = tpu.memref_slice %arg7[%mul3A_85] : memref<5120000xf32, #tpu.memory_space<hbm>> -> memref<1280xf32, #tpu.memory_space<hbm>>
    %dma_wait3A_109 = tpu.memref_slice %arg7[%mul3A_85] : memref<5120000xf32, #tpu.memory_space<hbm>> -> memref<1280xf32, #tpu.memory_space<hbm>>
    %dma_wait3A_110 = arith.constant 0 : i32
    %dma_wait3A_111 = tpu.memref_slice %arg15[%dma_wait3A_104, %dma_wait3A_110] : memref<2x1280xf32, #tpu.memory_space<vmem>> -> memref<1x1280xf32, #tpu.memory_space<vmem>>
    %dma_wait3A_112 = tpu.memref_squeeze %dma_wait3A_111 : memref<1x1280xf32, #tpu.memory_space<vmem>> -> memref<1280xf32, #tpu.memory_space<vmem>>
    tpu.wait_dma2 semaphore(%arg19 : memref<!tpu.dma_semaphore, #tpu.memory_space<semaphore_mem>>) src(%dma_wait3A_112 : memref<1280xf32, #tpu.memory_space<vmem>>) dst(%dma_wait3A_109 : memref<1280xf32, #tpu.memory_space<hbm>>)
    return
  }
}

module attributes {stable_mosaic.version = 14 : i64} {
  func.func @_proj_body(%arg0: i32, %arg1: memref<1000x128xf32, #tpu.memory_space<vmem>>, %arg2: memref<256x32xf32, #tpu.memory_space<vmem>>, %arg3: memref<1000x128xf32, #tpu.memory_space<vmem>>, %arg4: memref<1x128xf32, #tpu.memory_space<vmem>>) attributes {dimension_semantics = [#tpu.dimension_semantics<arbitrary>], iteration_bounds = array<i64: 10>, scalar_prefetch = 0 : i64, scratch_operands = 0 : i64, tpu.core_type = #tpu.core_type<tc>, window_params = [{transform_indices = @transform_0, window_bounds = array<i64: 1000, 128>}, {pipeline_mode = #tpu.pipeline_mode<synchronous>, transform_indices = @transform_1, window_bounds = array<i64: 256, 32>}, {transform_indices = @transform_2, window_bounds = array<i64: 1000, 128>}, {pipeline_mode = #tpu.pipeline_mode<synchronous>, transform_indices = @transform_3, window_bounds = array<i64: 1, 128>}]} {
    %get3A = arith.constant 0 : index
    %get3A_0 = arith.constant 0 : index
    %get3A_1 = vector.load %arg1[%get3A, %get3A_0] : memref<1000x128xf32, #tpu.memory_space<vmem>>, vector<1000x128xf32>
    %convert_element_type3A = arith.truncf %get3A_1 : vector<1000x128xf32> to vector<1000x128xbf16>
    %get3A_2 = arith.constant 0 : index
    %get3A_3 = arith.constant 0 : index
    %get3A_4 = vector.load %arg2[%get3A_2, %get3A_3] : memref<256x32xf32, #tpu.memory_space<vmem>>, vector<128x32xf32>
    %convert_element_type3A_5 = arith.truncf %get3A_4 : vector<128x32xf32> to vector<128x32xbf16>
    %dot_general3A = arith.constant dense<0.000000e+00> : vector<1000x32xf32>
    %dot_general3A_6 = tpu.matmul %convert_element_type3A, %convert_element_type3A_5, %dot_general3A {dimension_numbers = #tpu.dot_dimension_numbers<[1], [0], [0], [1], [0, 0, 1, 1], [], []>, transpose_lhs_hint = false} : vector<1000x128xbf16>, vector<128x32xbf16>, vector<1000x32xf32> -> vector<1000x32xf32>
    %get3A_7 = arith.constant 128 : index
    %get3A_8 = arith.constant 0 : index
    %get3A_9 = vector.load %arg2[%get3A_7, %get3A_8] : memref<256x32xf32, #tpu.memory_space<vmem>>, vector<128x32xf32>
    %convert_element_type3A_10 = arith.truncf %get3A_9 : vector<128x32xf32> to vector<128x32xbf16>
    %dot_general3A_11 = arith.constant dense<0.000000e+00> : vector<1000x32xf32>
    %dot_general3A_12 = tpu.matmul %convert_element_type3A, %convert_element_type3A_10, %dot_general3A_11 {dimension_numbers = #tpu.dot_dimension_numbers<[1], [0], [0], [1], [0, 0, 1, 1], [], []>, transpose_lhs_hint = false} : vector<1000x128xbf16>, vector<128x32xbf16>, vector<1000x32xf32> -> vector<1000x32xf32>
    %broadcast_in_dim3A = arith.constant 0.000000e+00 : f32
    %broadcast_in_dim3A_13 = vector.broadcast %broadcast_in_dim3A : f32 to vector<1000x64xf32>
    %concatenate3A = tpu.concatenate %dot_general3A_6, %dot_general3A_12, %broadcast_in_dim3A_13 in 1 : vector<1000x32xf32>, vector<1000x32xf32>, vector<1000x64xf32> -> vector<1000x128xf32>
    %swap3A = arith.constant 0 : index
    %swap3A_14 = arith.constant 0 : index
    %swap3A_15 = vector.load %arg3[%swap3A, %swap3A_14] : memref<1000x128xf32, #tpu.memory_space<vmem>>, vector<1000x128xf32>
    tpu.vector_store %arg3[%swap3A, %swap3A_14], %concatenate3A {strides = array<i32>} : memref<1000x128xf32, #tpu.memory_space<vmem>>, vector<1000x128xf32>,
    %eq3A = arith.constant 0 : i32
    %eq3A_16 = arith.cmpi eq, %arg0, %eq3A : i32
    %convert_element_type3A_17 = arith.extui %eq3A_16 : i1 to i32
    %cond3A = arith.constant 0 : i32
    %cond3A_18 = arith.cmpi ne, %convert_element_type3A_17, %cond3A : i32
    scf.if %cond3A_18 {
      %broadcast_in_dim3A_27 = arith.constant 0.000000e+00 : f32
      %broadcast_in_dim3A_28 = vector.broadcast %broadcast_in_dim3A_27 : f32 to vector<1x128xf32>
      %swap3A_29 = arith.constant 0 : index
      %swap3A_30 = arith.constant 0 : index
      %swap3A_31 = vector.load %arg4[%swap3A_29, %swap3A_30] : memref<1x128xf32, #tpu.memory_space<vmem>>, vector<1x128xf32>
      tpu.vector_store %arg4[%swap3A_29, %swap3A_30], %broadcast_in_dim3A_28 {strides = array<i32>} : memref<1x128xf32, #tpu.memory_space<vmem>>, vector<1x128xf32>,
    } else {
    }
    %get3A_19 = arith.constant 0 : index
    %get3A_20 = arith.constant 0 : index
    %get3A_21 = vector.load %arg4[%get3A_19, %get3A_20] : memref<1x128xf32, #tpu.memory_space<vmem>>, vector<1x128xf32>
    %reduce_sum3A = arith.constant dense<0.000000e+00> : vector<128xf32>
    %reduce_sum3A_22 = vector.multi_reduction <add>, %get3A_1, %reduce_sum3A [0] : vector<1000x128xf32> to vector<128xf32>
    %broadcast_in_dim3A_23 = vector.shape_cast %reduce_sum3A_22 : vector<128xf32> to vector<1x128xf32>
    %add3A = arith.addf %get3A_21, %broadcast_in_dim3A_23 : vector<1x128xf32>
    %swap3A_24 = arith.constant 0 : index
    %swap3A_25 = arith.constant 0 : index
    %swap3A_26 = vector.load %arg4[%swap3A_24, %swap3A_25] : memref<1x128xf32, #tpu.memory_space<vmem>>, vector<1x128xf32>
    tpu.vector_store %arg4[%swap3A_24, %swap3A_25], %add3A {strides = array<i32>} : memref<1x128xf32, #tpu.memory_space<vmem>>, vector<1x128xf32>,
    return
  }
  func.func @transform_0(%arg0: i32) -> (i32, i32) {
    %c0_i32 = arith.constant 0 : i32
    %c0_i32_0 = arith.constant 0 : i32
    return %arg0, %c0_i32 : i32, i32
  }
  func.func @transform_1(%arg0: i32) -> (i32, i32) {
    %c0_i32 = arith.constant 0 : i32
    %c0_i32_0 = arith.constant 0 : i32
    %c0_i32_1 = arith.constant 0 : i32
    return %c0_i32, %c0_i32_0 : i32, i32
  }
  func.func @transform_2(%arg0: i32) -> (i32, i32) {
    %c0_i32 = arith.constant 0 : i32
    %c0_i32_0 = arith.constant 0 : i32
    return %arg0, %c0_i32 : i32, i32
  }
  func.func @transform_3(%arg0: i32) -> (i32, i32) {
    %c0_i32 = arith.constant 0 : i32
    %c0_i32_0 = arith.constant 0 : i32
    %c0_i32_1 = arith.constant 0 : i32
    return %c0_i32, %c0_i32_0 : i32, i32
  }
}

module attributes {stable_mosaic.version = 14 : i64} {
  func.func @_reduce_body(%arg0: i32, %arg1: memref<2000x128xf32, #tpu.memory_space<vmem>>, %arg2: memref<2000x128xf32, #tpu.memory_space<vmem>>, %arg3: memref<2000x128xf32, #tpu.memory_space<vmem>>, %arg4: memref<128x128xf32, #tpu.memory_space<vmem>>, %arg5: memref<128x128xf32, #tpu.memory_space<vmem>>, %arg6: memref<1x128xf32, #tpu.memory_space<vmem>>, %arg7: memref<1x128xf32, #tpu.memory_space<vmem>>, %arg8: memref<32x32xf32, #tpu.memory_space<vmem>>, %arg9: memref<1x32xf32, #tpu.memory_space<vmem>>, %arg10: memref<160x1xf32, #tpu.memory_space<vmem>>, %arg11: memref<1x1xf32, #tpu.memory_space<vmem>>, %arg12: memref<1x1xf32, #tpu.memory_space<vmem>>, %arg13: memref<1x128xf32, #tpu.memory_space<vmem>>, %arg14: memref<1x128xf32, #tpu.memory_space<vmem>>) attributes {dimension_semantics = [#tpu.dimension_semantics<arbitrary>], iteration_bounds = array<i64: 20>, scalar_prefetch = 0 : i64, scratch_operands = 2 : i64, tpu.core_type = #tpu.core_type<tc>, window_params = [{transform_indices = @transform_0, window_bounds = array<i64: 2000, 128>}, {transform_indices = @transform_1, window_bounds = array<i64: 2000, 128>}, {transform_indices = @transform_2, window_bounds = array<i64: 2000, 128>}, {pipeline_mode = #tpu.pipeline_mode<synchronous>, transform_indices = @transform_3, window_bounds = array<i64: 128, 128>}, {pipeline_mode = #tpu.pipeline_mode<synchronous>, transform_indices = @transform_4, window_bounds = array<i64: 128, 128>}, {pipeline_mode = #tpu.pipeline_mode<synchronous>, transform_indices = @transform_5, window_bounds = array<i64: 1, 128>}, {pipeline_mode = #tpu.pipeline_mode<synchronous>, transform_indices = @transform_6, window_bounds = array<i64: 1, 128>}, {pipeline_mode = #tpu.pipeline_mode<synchronous>, transform_indices = @transform_7, window_bounds = array<i64: 32, 32>}, {pipeline_mode = #tpu.pipeline_mode<synchronous>, transform_indices = @transform_8, window_bounds = array<i64: 1, 32>}, {pipeline_mode = #tpu.pipeline_mode<synchronous>, transform_indices = @transform_9, window_bounds = array<i64: 160, 1>}, {pipeline_mode = #tpu.pipeline_mode<synchronous>, transform_indices = @transform_10, window_bounds = array<i64: 1, 1>}, {pipeline_mode = #tpu.pipeline_mode<synchronous>, transform_indices = @transform_11, window_bounds = array<i64: 1, 1>}]} {
    %eq3A = arith.constant 0 : i32
    %eq3A_0 = arith.cmpi eq, %arg0, %eq3A : i32
    %convert_element_type3A = arith.extui %eq3A_0 : i1 to i32
    %cond3A = arith.constant 0 : i32
    %cond3A_1 = arith.cmpi ne, %convert_element_type3A, %cond3A : i32
    scf.if %cond3A_1 {
      %broadcast_in_dim3A_64 = arith.constant 0.000000e+00 : f32
      %broadcast_in_dim3A_65 = vector.broadcast %broadcast_in_dim3A_64 : f32 to vector<1x128xf32>
      %swap3A_66 = arith.constant 0 : index
      %swap3A_67 = arith.constant 0 : index
      %swap3A_68 = vector.load %arg13[%swap3A_66, %swap3A_67] : memref<1x128xf32, #tpu.memory_space<vmem>>, vector<1x128xf32>
      tpu.vector_store %arg13[%swap3A_66, %swap3A_67], %broadcast_in_dim3A_65 {strides = array<i32>} : memref<1x128xf32, #tpu.memory_space<vmem>>, vector<1x128xf32>,
      %broadcast_in_dim3A_69 = arith.constant 0.000000e+00 : f32
      %broadcast_in_dim3A_70 = vector.broadcast %broadcast_in_dim3A_69 : f32 to vector<1x128xf32>
      %swap3A_71 = arith.constant 0 : index
      %swap3A_72 = arith.constant 0 : index
      %swap3A_73 = vector.load %arg14[%swap3A_71, %swap3A_72] : memref<1x128xf32, #tpu.memory_space<vmem>>, vector<1x128xf32>
      tpu.vector_store %arg14[%swap3A_71, %swap3A_72], %broadcast_in_dim3A_70 {strides = array<i32>} : memref<1x128xf32, #tpu.memory_space<vmem>>, vector<1x128xf32>,
    } else {
    }
    %get3A = arith.constant 0 : index
    %get3A_2 = arith.constant 0 : index
    %get3A_3 = vector.load %arg3[%get3A, %get3A_2] : memref<2000x128xf32, #tpu.memory_space<vmem>>, vector<2000x128xf32>
    %convert_element_type3A_4 = arith.truncf %get3A_3 : vector<2000x128xf32> to vector<2000x128xbf16>
    %get3A_5 = arith.constant 0 : index
    %get3A_6 = arith.constant 0 : index
    %get3A_7 = vector.load %arg4[%get3A_5, %get3A_6] : memref<128x128xf32, #tpu.memory_space<vmem>>, vector<128x128xf32>
    %convert_element_type3A_8 = arith.truncf %get3A_7 : vector<128x128xf32> to vector<128x128xbf16>
    %get3A_9 = arith.constant 0 : index
    %get3A_10 = arith.constant 0 : index
    %get3A_11 = vector.load %arg5[%get3A_9, %get3A_10] : memref<128x128xf32, #tpu.memory_space<vmem>>, vector<128x128xf32>
    %convert_element_type3A_12 = arith.truncf %get3A_11 : vector<128x128xf32> to vector<128x128xbf16>
    %get3A_13 = arith.constant 0 : index
    %get3A_14 = arith.constant 0 : index
    %get3A_15 = vector.load %arg1[%get3A_13, %get3A_14] : memref<2000x128xf32, #tpu.memory_space<vmem>>, vector<2000x128xf32>
    %dot_general3A = arith.constant dense<0.000000e+00> : vector<2000x128xf32>
    %dot_general3A_16 = tpu.matmul %convert_element_type3A_4, %convert_element_type3A_8, %dot_general3A {dimension_numbers = #tpu.dot_dimension_numbers<[1], [0], [0], [1], [0, 0, 1, 1], [], []>, transpose_lhs_hint = false} : vector<2000x128xbf16>, vector<128x128xbf16>, vector<2000x128xf32> -> vector<2000x128xf32>
    %add3A = arith.addf %get3A_15, %dot_general3A_16 : vector<2000x128xf32>
    %get3A_17 = arith.constant 0 : index
    %get3A_18 = arith.constant 0 : index
    %get3A_19 = vector.load %arg6[%get3A_17, %get3A_18] : memref<1x128xf32, #tpu.memory_space<vmem>>, vector<1x128xf32>
    %add3A_20 = vector.broadcast %get3A_19 : vector<1x128xf32> to vector<2000x128xf32>
    %add3A_21 = arith.addf %add3A, %add3A_20 : vector<2000x128xf32>
    %get3A_22 = arith.constant 0 : index
    %get3A_23 = arith.constant 0 : index
    %get3A_24 = vector.load %arg2[%get3A_22, %get3A_23] : memref<2000x128xf32, #tpu.memory_space<vmem>>, vector<2000x128xf32>
    %dot_general3A_25 = arith.constant dense<0.000000e+00> : vector<2000x128xf32>
    %dot_general3A_26 = tpu.matmul %convert_element_type3A_4, %convert_element_type3A_12, %dot_general3A_25 {dimension_numbers = #tpu.dot_dimension_numbers<[1], [0], [0], [1], [0, 0, 1, 1], [], []>, transpose_lhs_hint = false} : vector<2000x128xbf16>, vector<128x128xbf16>, vector<2000x128xf32> -> vector<2000x128xf32>
    %add3A_27 = arith.addf %get3A_24, %dot_general3A_26 : vector<2000x128xf32>
    %get3A_28 = arith.constant 0 : index
    %get3A_29 = arith.constant 0 : index
    %get3A_30 = vector.load %arg6[%get3A_28, %get3A_29] : memref<1x128xf32, #tpu.memory_space<vmem>>, vector<1x128xf32>
    %add3A_31 = vector.broadcast %get3A_30 : vector<1x128xf32> to vector<2000x128xf32>
    %add3A_32 = arith.addf %add3A_27, %add3A_31 : vector<2000x128xf32>
    %max3A = arith.constant 0.000000e+00 : f32
    %max3A_33 = vector.broadcast %max3A : f32 to vector<2000x128xf32>
    %max3A_34 = arith.maximumf %add3A_21, %max3A_33 : vector<2000x128xf32>
    %convert_element_type3A_35 = arith.truncf %max3A_34 : vector<2000x128xf32> to vector<2000x128xbf16>
    %convert_element_type3A_36 = arith.extf %convert_element_type3A_35 : vector<2000x128xbf16> to vector<2000x128xf32>
    %max3A_37 = arith.constant 0.000000e+00 : f32
    %max3A_38 = vector.broadcast %max3A_37 : f32 to vector<2000x128xf32>
    %max3A_39 = arith.maximumf %add3A_32, %max3A_38 : vector<2000x128xf32>
    %convert_element_type3A_40 = arith.truncf %max3A_39 : vector<2000x128xf32> to vector<2000x128xbf16>
    %convert_element_type3A_41 = arith.extf %convert_element_type3A_40 : vector<2000x128xbf16> to vector<2000x128xf32>
    %get3A_42 = arith.constant 0 : index
    %get3A_43 = arith.constant 0 : index
    %get3A_44 = vector.load %arg13[%get3A_42, %get3A_43] : memref<1x128xf32, #tpu.memory_space<vmem>>, vector<1x128xf32>
    %reduce_sum3A = arith.constant dense<0.000000e+00> : vector<128xf32>
    %reduce_sum3A_45 = vector.multi_reduction <add>, %convert_element_type3A_36, %reduce_sum3A [0] : vector<2000x128xf32> to vector<128xf32>
    %broadcast_in_dim3A = vector.shape_cast %reduce_sum3A_45 : vector<128xf32> to vector<1x128xf32>
    %add3A_46 = arith.addf %get3A_44, %broadcast_in_dim3A : vector<1x128xf32>
    %swap3A = arith.constant 0 : index
    %swap3A_47 = arith.constant 0 : index
    %swap3A_48 = vector.load %arg13[%swap3A, %swap3A_47] : memref<1x128xf32, #tpu.memory_space<vmem>>, vector<1x128xf32>
    tpu.vector_store %arg13[%swap3A, %swap3A_47], %add3A_46 {strides = array<i32>} : memref<1x128xf32, #tpu.memory_space<vmem>>, vector<1x128xf32>,
    %get3A_49 = arith.constant 0 : index
    %get3A_50 = arith.constant 0 : index
    %get3A_51 = vector.load %arg14[%get3A_49, %get3A_50] : memref<1x128xf32, #tpu.memory_space<vmem>>, vector<1x128xf32>
    %reduce_sum3A_52 = arith.constant dense<0.000000e+00> : vector<128xf32>
    %reduce_sum3A_53 = vector.multi_reduction <add>, %convert_element_type3A_41, %reduce_sum3A_52 [0] : vector<2000x128xf32> to vector<128xf32>
    %broadcast_in_dim3A_54 = vector.shape_cast %reduce_sum3A_53 : vector<128xf32> to vector<1x128xf32>
    %add3A_55 = arith.addf %get3A_51, %broadcast_in_dim3A_54 : vector<1x128xf32>
    %swap3A_56 = arith.constant 0 : index
    %swap3A_57 = arith.constant 0 : index
    %swap3A_58 = vector.load %arg14[%swap3A_56, %swap3A_57] : memref<1x128xf32, #tpu.memory_space<vmem>>, vector<1x128xf32>
    tpu.vector_store %arg14[%swap3A_56, %swap3A_57], %add3A_55 {strides = array<i32>} : memref<1x128xf32, #tpu.memory_space<vmem>>, vector<1x128xf32>,
    %eq3A_59 = arith.constant 19 : i32
    %eq3A_60 = arith.cmpi eq, %arg0, %eq3A_59 : i32
    %convert_element_type3A_61 = arith.extui %eq3A_60 : i1 to i32
    %cond3A_62 = arith.constant 0 : i32
    %cond3A_63 = arith.cmpi ne, %convert_element_type3A_61, %cond3A_62 : i32
    scf.if %cond3A_63 {
      %get3A_64 = arith.constant 0 : index
      %get3A_65 = arith.constant 0 : index
      %get3A_66 = vector.load %arg13[%get3A_64, %get3A_65] : memref<1x128xf32, #tpu.memory_space<vmem>>, vector<1x128xf32>
      %get3A_67 = arith.constant 0 : index
      %get3A_68 = arith.constant 0 : index
      %get3A_69 = vector.load %arg14[%get3A_67, %get3A_68] : memref<1x128xf32, #tpu.memory_space<vmem>>, vector<1x128xf32>
      %add3A_70 = arith.addf %get3A_66, %get3A_69 : vector<1x128xf32>
      %slice3A = vector.extract_strided_slice %add3A_70 {offsets = [0, 0], sizes = [1, 32], strides = [1, 1]} : vector<1x128xf32> to vector<1x32xf32>
      %slice3A_71 = vector.extract_strided_slice %add3A_70 {offsets = [0, 32], sizes = [1, 32], strides = [1, 1]} : vector<1x128xf32> to vector<1x32xf32>
      %add3A_72 = arith.addf %slice3A, %slice3A_71 : vector<1x32xf32>
      %slice3A_73 = vector.extract_strided_slice %add3A_70 {offsets = [0, 64], sizes = [1, 32], strides = [1, 1]} : vector<1x128xf32> to vector<1x32xf32>
      %add3A_74 = arith.addf %add3A_72, %slice3A_73 : vector<1x32xf32>
      %slice3A_75 = vector.extract_strided_slice %add3A_70 {offsets = [0, 96], sizes = [1, 32], strides = [1, 1]} : vector<1x128xf32> to vector<1x32xf32>
      %add3A_76 = arith.addf %add3A_74, %slice3A_75 : vector<1x32xf32>
      %get3A_77 = arith.constant 0 : index
      %get3A_78 = arith.constant 0 : index
      %get3A_79 = vector.load %arg8[%get3A_77, %get3A_78] : memref<32x32xf32, #tpu.memory_space<vmem>>, vector<32x32xf32>
      %convert_element_type3A_80 = arith.truncf %get3A_79 : vector<32x32xf32> to vector<32x32xbf16>
      %convert_element_type3A_81 = arith.extf %convert_element_type3A_80 : vector<32x32xbf16> to vector<32x32xf32>
      %dot_general3A_82 = arith.constant dense<0.000000e+00> : vector<1x32xf32>
      %dot_general3A_83 = tpu.matmul %add3A_76, %convert_element_type3A_81, %dot_general3A_82 {dimension_numbers = #tpu.dot_dimension_numbers<[1], [0], [0], [1], [0, 0, 1, 1], [], []>, precision = #tpu.contract_precision<fp32>, transpose_lhs_hint = false} : vector<1x32xf32>, vector<32x32xf32>, vector<1x32xf32> -> vector<1x32xf32>
      %get3A_84 = arith.constant 0 : index
      %get3A_85 = arith.constant 0 : index
      %get3A_86 = vector.load %arg9[%get3A_84, %get3A_85] : memref<1x32xf32, #tpu.memory_space<vmem>>, vector<1x32xf32>
      %mul3A = arith.constant 3.200000e+05 : f32
      %mul3A_87 = vector.broadcast %mul3A : f32 to vector<1x32xf32>
      %mul3A_88 = arith.mulf %mul3A_87, %get3A_86 : vector<1x32xf32>
      %add3A_89 = arith.addf %dot_general3A_83, %mul3A_88 : vector<1x32xf32>
      %get3A_90 = arith.constant 0 : index
      %get3A_91 = arith.constant 0 : index
      %get3A_92 = vector.load %arg10[%get3A_90, %get3A_91] : memref<160x1xf32, #tpu.memory_space<vmem>>, vector<160x1xf32>
      %get3A_93 = arith.constant 0 : index
      %get3A_94 = arith.constant 0 : index
      %get3A_95 = vector.load %arg7[%get3A_93, %get3A_94] : memref<1x128xf32, #tpu.memory_space<vmem>>, vector<1x128xf32>
      %slice3A_96 = vector.extract_strided_slice %get3A_92 {offsets = [0, 0], sizes = [128, 1], strides = [1, 1]} : vector<160x1xf32> to vector<128x1xf32>
      %dot_general3A_97 = arith.constant dense<0.000000e+00> : vector<1x1xf32>
      %dot_general3A_98 = tpu.matmul %get3A_95, %slice3A_96, %dot_general3A_97 {dimension_numbers = #tpu.dot_dimension_numbers<[1], [0], [0], [1], [0, 0, 1, 1], [], []>, precision = #tpu.contract_precision<fp32>, transpose_lhs_hint = false} : vector<1x128xf32>, vector<128x1xf32>, vector<1x1xf32> -> vector<1x1xf32>
      %slice3A_99 = vector.extract_strided_slice %get3A_92 {offsets = [128, 0], sizes = [32, 1], strides = [1, 1]} : vector<160x1xf32> to vector<32x1xf32>
      %dot_general3A_100 = arith.constant dense<0.000000e+00> : vector<1x1xf32>
      %dot_general3A_101 = tpu.matmul %add3A_89, %slice3A_99, %dot_general3A_100 {dimension_numbers = #tpu.dot_dimension_numbers<[1], [0], [0], [1], [0, 0, 1, 1], [], []>, precision = #tpu.contract_precision<fp32>, transpose_lhs_hint = false} : vector<1x32xf32>, vector<32x1xf32>, vector<1x1xf32> -> vector<1x1xf32>
      %add3A_102 = arith.addf %dot_general3A_98, %dot_general3A_101 : vector<1x1xf32>
      %get3A_103 = arith.constant 0 : index
      %get3A_104 = arith.constant 0 : index
      %get3A_105 = vector.load %arg11[%get3A_103, %get3A_104] : memref<1x1xf32, #tpu.memory_space<vmem>>, vector<1x1xf32>
      %add3A_106 = arith.addf %add3A_102, %get3A_105 : vector<1x1xf32>
      %swap3A_107 = arith.constant 0 : index
      %swap3A_108 = arith.constant 0 : index
      %swap3A_109 = vector.load %arg12[%swap3A_107, %swap3A_108] : memref<1x1xf32, #tpu.memory_space<vmem>>, vector<1x1xf32>
      tpu.vector_store %arg12[%swap3A_107, %swap3A_108], %add3A_106 {strides = array<i32>} : memref<1x1xf32, #tpu.memory_space<vmem>>, vector<1x1xf32>,
    } else {
    }
    return
  }
  func.func @transform_0(%arg0: i32) -> (i32, i32) {
    %c0_i32 = arith.constant 0 : i32
    %c0_i32_0 = arith.constant 0 : i32
    return %arg0, %c0_i32 : i32, i32
  }
  func.func @transform_1(%arg0: i32) -> (i32, i32) {
    %c0_i32 = arith.constant 0 : i32
    %c0_i32_0 = arith.constant 0 : i32
    return %arg0, %c0_i32 : i32, i32
  }
  func.func @transform_2(%arg0: i32) -> (i32, i32) {
    %c0_i32 = arith.constant 0 : i32
    %c0_i32_0 = arith.constant 0 : i32
    return %arg0, %c0_i32 : i32, i32
  }
  func.func @transform_3(%arg0: i32) -> (i32, i32) {
    %c0_i32 = arith.constant 0 : i32
    %c0_i32_0 = arith.constant 0 : i32
    %c0_i32_1 = arith.constant 0 : i32
    return %c0_i32, %c0_i32_0 : i32, i32
  }
  func.func @transform_4(%arg0: i32) -> (i32, i32) {
    %c0_i32 = arith.constant 0 : i32
    %c0_i32_0 = arith.constant 0 : i32
    %c0_i32_1 = arith.constant 0 : i32
    return %c0_i32, %c0_i32_0 : i32, i32
  }
  func.func @transform_5(%arg0: i32) -> (i32, i32) {
    %c0_i32 = arith.constant 0 : i32
    %c0_i32_0 = arith.constant 0 : i32
    %c0_i32_1 = arith.constant 0 : i32
    return %c0_i32, %c0_i32_0 : i32, i32
  }
  func.func @transform_6(%arg0: i32) -> (i32, i32) {
    %c0_i32 = arith.constant 0 : i32
    %c0_i32_0 = arith.constant 0 : i32
    %c0_i32_1 = arith.constant 0 : i32
    return %c0_i32, %c0_i32_0 : i32, i32
  }
  func.func @transform_7(%arg0: i32) -> (i32, i32) {
    %c0_i32 = arith.constant 0 : i32
    %c0_i32_0 = arith.constant 0 : i32
    %c0_i32_1 = arith.constant 0 : i32
    return %c0_i32, %c0_i32_0 : i32, i32
  }
  func.func @transform_8(%arg0: i32) -> (i32, i32) {
    %c0_i32 = arith.constant 0 : i32
    %c0_i32_0 = arith.constant 0 : i32
    %c0_i32_1 = arith.constant 0 : i32
    return %c0_i32, %c0_i32_0 : i32, i32
  }
  func.func @transform_9(%arg0: i32) -> (i32, i32) {
    %c0_i32 = arith.constant 0 : i32
    %c0_i32_0 = arith.constant 0 : i32
    %c0_i32_1 = arith.constant 0 : i32
    return %c0_i32, %c0_i32_0 : i32, i32
  }
  func.func @transform_10(%arg0: i32) -> (i32, i32) {
    %c0_i32 = arith.constant 0 : i32
    %c0_i32_0 = arith.constant 0 : i32
    %c0_i32_1 = arith.constant 0 : i32
    return %c0_i32, %c0_i32_0 : i32, i32
  }
  func.func @transform_11(%arg0: i32) -> (i32, i32) {
    %c0_i32 = arith.constant 0 : i32
    %c0_i32_0 = arith.constant 0 : i32
    %c0_i32_1 = arith.constant 0 : i32
    return %c0_i32, %c0_i32_0 : i32, i32
  }
}

</mosaic_0001>

<sc_bundles>
// kernel: kernel.5.cloned.1.call-start
scs
__scs_entry_jumppad:
0x0: {  	(pc) =	sbr.rel $0x88, $3  }
0x1: {  	(tag) =	ssettag $0x0;
	lr =	simm.s32 $0x1  }
0x2: {  	[smem:$0x3F98] =	sst lr;
	_ =	strace $0xD0000000  }
0x3: {  	_ = 	snop  }
0x4: {  	_ = 	snop  }
0x5: {  	_ = 	snop  }
0x6: {  	_ = 	snop  }
0x7: {  	_ = 	snop  }
__scs_overlays_trampoline_lowered:
0x8: {  	[smem:$0x3FA7] =	sst s0  }
0x9: {  	[smem:$0x3FA8] =	sst s1  }
0xa: {  	[smem:$0x3FA9] =	sst s2  }
0xb: {  	[smem:$0x3FAA] =	sst s3  }
0xc: {  	[smem:$0x3FAB] =	sst s4  }
0xd: {  	[smem:$0x3FAC] =	sst s5  }
0xe: {  	[smem:$0x3FAD] =	sst s6  }
0xf: {  	[smem:$0x3FAE] =	sst s7  }
0x10: {  	[smem:$0x3FAF] =	sst s8  }
0x11: {  	[smem:$0x3FB0] =	sst s9;
	s0 =	simm.s32 @!p0 $0x0  }
0x12: {  	s1 =	sld [smem:$0x3F96];
	s0 =	simm.s32 @p0 $0x1  }
0x13: {  	[smem:$0x3FB1] =	sst s0;
	s0 =	simm.s32 @!p1 $0x0  }
0x14: {  	s2 =	sld [smem:$0x3F95];
	s0 =	simm.s32 @p1 $0x1  }
0x15: {  	[smem:$0x3FB2] =	sst s0;
	s0 =	simm.s32 @!p2 $0x0  }
0x16: {  	s3 =	sld [smem:$0x3FDB];
	s0 =	simm.s32 @p2 $0x1  }
0x17: {  	s4 =	simm.s32 $0x1BF5;
	[smem:$0x3FB4] =	sst s0  }
0x18: {  	s0 =	sld [smem:$0x3F97];
	_ =	swait.ge [sflag:s4], $0x0  }
0x19: {  	s7 =	sld [smem:$0x3F98]  }
0x1a: {  	s8 =	sadd.s32 $0xFFFFE003, lr  }
0x1b: {  	s9 =	sadd.s32 $0xFFFFFEF7, lr;
	s5 =	simm.s32 $0xFFFFFFFF;
	p2 =	slt.u32 s8, $0xFFFFF086  }
0x1c: {  	p1 =	slt.u32 s9, $0xF7A;
	s5 =	simm.s32 @!p2 $0x0  }
0x1d: {  	s5 =	simm.s32 @p1 $0x1;
	p0 =	seq.s32 s7, s2  }
0x1e: {  	s7 =	smul.u32 @!p0 $0xF7A, s2;
	p2 =	seq.s32 @!p0 s5, $0x0  }
0x1f: {  	s9 =	smul.u32 $0xF7A, s1;
	s8 =	simm.s32 @!p0 $0x1BF5;
	p2 =	por !p2, p0  }
0x20: {  	[sflag:s8] =	ssyncset.s32 @!p0 $0xFFFFF086;
	s6 =	sadd.s32 @!p0 s3, s7;
	s7 =	simm.s32 @!p0 $0x108  }
0x21: {  	s3 =	sadd.s32 s3, s9;
	s6 =	sadd.s32 @!p0 $0x88, s6;
	s7 =	simm.s32 @p2 $0x1082  }
0x22: {  	[simem:s7], [sflag:s8] =	dma.local @!p0 [hbm:s6], $0xF7A  }
0x23: {  	s9 =	sor.u32 $0xD0000000, s2;
	s6 =	simm.s32 $0x108;
	_ =	swait.ge @!p0 [sflag:s8], $0x0  }
0x24: {  	s3 =	sadd.s32 $0x88, s3;
	s6 =	simm.s32 @!p1 $0x1082;
	[sflag:s4] =	ssyncset.s32 $0xFFFFF086  }
0x25: {  	[simem:s6], [sflag:s4] =	dma.local [hbm:s3], $0xF7A  }
0x26: {  	[smem:$0x3F98] =	sst s1;
	(tag) =	ssettag s2;
	_ =	strace s9  }
0x27: {  	s1 =	sld [smem:$0x3FA8]  }
0x28: {  	s2 =	sld [smem:$0x3FA9]  }
0x29: {  	s4 =	sld [smem:$0x3FAB]  }
0x2a: {  	p0 =	seq.s32 s5, $0x0;
	s5 =	sld [smem:$0x3FAC]  }
0x2b: {  	s6 =	sld [smem:$0x3FAD]  }
0x2c: {  	s7 =	sld [smem:$0x3FAE]  }
0x2d: {  	s3 =	simm.s32 $0x108;
	s8 =	sld [smem:$0x3FAF]  }
0x2e: {  	s3 =	simm.s32 @!p0 $0x1082;
	s9 =	sld [smem:$0x3FB0]  }
0x2f: {  	lr =	sadd.s32 s0, s3;
	s0 =	sld [smem:$0x3FA7]  }
0x30: {  	s3 =	sld [smem:$0x3FAA]  }
0x31: {  	[smem:$0x3FB3] =	sst s10  }
0x32: {  	s10 =	sld [smem:$0x3FB1];
	_ =	sdelay $0x3  }
0x33: {  	p0 =	seq.s32 s10, $0x1;
	s10 =	sld [smem:$0x3FB3];
	_ =	sdelay $0x3  }
0x34: {  	[smem:$0x3FB3] =	sst s10  }
0x35: {  	s10 =	sld [smem:$0x3FB2];
	_ =	sdelay $0x3  }
0x36: {  	p1 =	seq.s32 s10, $0x1;
	s10 =	sld [smem:$0x3FB3];
	_ =	sdelay $0x3  }
0x37: {  	[smem:$0x3FB3] =	sst s10  }
0x38: {  	s10 =	sld [smem:$0x3FB4]  }
0x39: {  	_ = 	snop;
	(pc) =	sbr.ind lr, $3  }
0x3a: {  	_ = 	snop  }
0x3b: {  	_ = 	snop  }
0x3c: {  	p2 =	seq.s32 s10, $0x1;
	s10 =	sld [smem:$0x3FB3]  }
0x3d: {  	_ =	shalt  }
0x3e: {  	_ =	shalt  }
0x3f: {  	_ =	shalt  }
0x40: {  	_ =	shalt  }
0x41: {  	_ =	shalt  }
0x42: {  	_ =	shalt  }
0x43: {  	_ =	shalt  }
0x44: {  	_ =	shalt  }
0x45: {  	_ =	shalt  }
0x46: {  	_ =	shalt  }
0x47: {  	_ =	shalt  }
0x48: {  	_ =	shalt  }
0x49: {  	_ =	shalt  }
0x4a: {  	_ =	shalt  }
0x4b: {  	_ =	shalt  }
0x4c: {  	_ =	shalt  }
0x4d: {  	_ =	shalt  }
0x4e: {  	_ =	shalt  }
0x4f: {  	_ =	shalt  }
0x50: {  	_ =	shalt  }
0x51: {  	_ =	shalt  }
0x52: {  	_ =	shalt  }
0x53: {  	_ =	shalt  }
0x54: {  	_ =	shalt  }
0x55: {  	_ =	shalt  }
0x56: {  	_ =	shalt  }
0x57: {  	_ =	shalt  }
0x58: {  	_ =	shalt  }
0x59: {  	_ =	shalt  }
0x5a: {  	_ =	shalt  }
0x5b: {  	_ =	shalt  }
0x5c: {  	_ =	shalt  }
0x5d: {  	_ =	shalt  }
0x5e: {  	_ =	shalt  }
0x5f: {  	_ =	shalt  }
0x60: {  	_ =	shalt  }
0x61: {  	_ =	shalt  }
0x62: {  	_ =	shalt  }
0x63: {  	_ =	shalt  }
0x64: {  	_ =	shalt  }
0x65: {  	_ =	shalt  }
0x66: {  	_ =	shalt  }
0x67: {  	_ =	shalt  }
0x68: {  	_ =	shalt  }
0x69: {  	_ =	shalt  }
0x6a: {  	_ =	shalt  }
0x6b: {  	_ =	shalt  }
0x6c: {  	_ =	shalt  }
0x6d: {  	_ =	shalt  }
0x6e: {  	_ =	shalt  }
0x6f: {  	_ =	shalt  }
0x70: {  	_ =	shalt  }
0x71: {  	_ =	shalt  }
0x72: {  	_ =	shalt  }
0x73: {  	_ =	shalt  }
0x74: {  	_ =	shalt  }
0x75: {  	_ =	shalt  }
0x76: {  	_ =	shalt  }
0x77: {  	_ =	shalt  }
0x78: {  	_ =	shalt  }
0x79: {  	_ =	shalt  }
0x7a: {  	_ =	shalt  }
0x7b: {  	_ =	shalt  }
0x7c: {  	_ =	shalt  }
0x7d: {  	_ =	shalt  }
0x7e: {  	_ =	shalt  }
0x7f: {  	_ =	shalt  }
0x80: {  	_ =	shalt  }
0x81: {  	_ =	shalt  }
0x82: {  	_ =	shalt  }
0x83: {  	_ =	shalt  }
0x84: {  	_ =	shalt  }
0x85: {  	_ =	shalt  }
0x86: {  	_ =	shalt  }
0x87: {  	_ =	shalt  }
.Lfunc_end0:
.L_simem_size_0:
called_computation_lowered:
.L_overlay_start_0:
0x88: {  	s2 =	sld [smem:$0x3FD9]  }
0x89: {  	s3 =	sld [smem:$0x3FFE];
	_ =	sdelay $0x1  }
0x8a: {  	s1 =	srdreg.scid  }
0x8b: {  	s0 =	sand.u32 $0x1, s1  }
0x8c: {  	s16 =	sshll.u32 s0, $0xA;
	s2 =	sadd.s32 s3, s2  }
0x8d: {  	s2 =	sadd.s32 s2, s16  }
0x8e: {  	[smem:$0x3FBF] =	sst s2  }
0x8f: {  	_ = 	snop  }
0x90: {  	(tm) =	ssettm $0x1  }
0x91: {  	s17 =	sld [smem:$0x3FFB];
	_ =	sdelay $0x3  }
0x92: {  	_ =	strace s17  }
0x93: {  	s2 =	sld [smem:$0x3FFC];
	_ =	sdelay $0x3  }
0x94: {  	_ =	strace s2  }
0x95: {  	s2 =	sld [smem:$0x3FFD];
	_ =	sdelay $0x3  }
0x96: {  	_ =	strace s2  }
0x97: {  	_ =	strace $0x8FFFFFFF  }
0x98: {  	s18 =	sld [smem:$0x3FDB];
	_ =	sdelay $0x1  }
0x99: {  	s19 =	simm.s32 $_scs_section_size  }
0x9a: {  	s4 =	simm.s32 $_size__tile_overlayer_lowered;
	s5 =	simm.s32 $_tile_overlayer_lowered  }
0x9b: {  	s22 =	simm.s32 $0x1BFF;
	s21 =	sshll.u32 s5, $0x1;
	s2 =	sadd.s32 s19, s18  }
0x9c: {  	s6 =	simm.s32 $0x0;
	s20 =	sshll.u32 s4, $0x1;
	s4 =	sadd.s32 s21, s2  }
0x9d: {  	[timem:s6], [sflag:s22] =	dma.local [hbm:s4], s20  }
0x9e: {  	_ =	swait.ge [sflag:s22], s20  }
0x9f: {  	s3 =	ssub.s32 $0x0, s20;
	[sflag:s22] =	ssyncset.done $0x0  }
0xa0: {  	[sflag:s22] =	ssyncadd.s32 s3;
	_ =	sdelay $0x1  }
0xa1: {  	s23 =	simm.s32 $0x1B8B  }
0xa2: {  	_ =	swait.ge [sflag:s23], $0x1  }
0xa3: {  	[sflag:s23] =	ssyncset.done $0x0  }
0xa4: {  	s25 =	simm.s32 $0x1B8E;
	s24 =	sld [smem:$0x3FFE];
	[sflag:s23] =	ssyncadd.s32 $0xFFFFFFFF  }
0xa5: {  	s26 =	simm.s32 $execute0_lowered;
	[smem:$0x3FD2] =	sst s25  }
0xa6: {  	s4 =	sshll.u32 s26, $0x1;
	_ =	strace $0x80000046;
	[dreg:$0x1] =	wrdreg $0xFFFFFFFF  }
0xa7: {  	s28 =	simm.s32 $_size_execute0_lowered;
	s2 =	sadd.s32 s2, s4;
	[dreg:$0x0] =	wrdreg $0x0  }
0xa8: {  	s4 =	sshll.u32 s28, $0x1;
	[dreg:$0x2] =	wrdreg s2  }
0xa9: {  	[dreg:$0x3] =	wrdreg s4  }
0xaa: {  	[dreg:$0x4] =	wrdreg $0xC0  }
0xab: {  	_ =	task [dreg:s6], $0x5FFFF  }
0xac: {  	[dreg:$0x1] =	wrdreg $0xFFFFFFFF  }
0xad: {  	[dreg:$0x0] =	wrdreg $0x60  }
0xae: {  	[dreg:$0x2] =	wrdreg s24  }
0xaf: {  	[dreg:$0x3] =	wrdreg $0x9  }
0xb0: {  	_ =	task.clear_ibuf [dreg:s6], $0x4FFFF;
	_ =	strace $0x90000046  }
0xb1: {  	s29 =	simm.s32 $0x9;
	_ =	strace $0x80000048  }
0xb2: {  	_ =	swait.ge [sflag:s29], $0x1  }
0xb3: {  	[sflag:s29] =	ssyncadd.s32 $0xFFFFFFFF  }
0xb4: {  	_ =	strace $0x90000048  }
0xb5: {  	_ =	sfence  }
0xb6: {  	s30 =	sld [smem:$0x0];
	_ =	sdelay $0x2  }
0xb7: {  	s31 =	sshll.u32 s1, $0xD;
	s1 =	sshrl.u32 s1, $0x2  }
0xb8: {  	s3 =	sand.u32 $0x4000, s31;
	s1 =	sadd.s32 s1, s30  }
0xb9: {  	s0 =	sor.u32 s3, s0;
	s1 =	sshll.u32 s1, $0x11  }
0xba: {  	s0 =	sor.u32 s1, s0  }
0xbb: {  	s0 =	sadd.s32 $0x8F2B, s0  }
0xbc: {  	[sflag:s0] =	ssyncadd.remote.s32 $0x1  }
0xbd: {  	_ =	sfence.sel $0xFFFF  }
0xbe: {  	[dreg:$0x0] =	wrdreg $0xFFFFFFFF;
	(pc) =	sbr.abs _section_cstart, $3  }
0xbf: {  	[dreg:$0x1] =	wrdreg $0xFFFFFFFF  }
0xc0: {  	_ =	task.clear_ibuf [dreg:s6], $0x2FFFF;
	_ =	strace $0x9FFFFFFF  }
0xc1: {  	(tm) =	ssettm $0x7FFFFFFF  }
tec
execute0_lowered:
.L_overlay_start_1:
0x0: {  	(tag) =	ssettag $0x1  }
0x1: {  	s0 =	srdreg.scid  }
0x2: {  	s1 =	stileid.u32;
	s8 =	rddreg [dreg:$0x0]  }
0x3: {  	s2 =	simm.s32 $0x0;
	s20 =	simm.s32 $0x1;
	s28 =	simm.s32 $0x15380  }
0x4: {  	s29 =	simm.s32 $0x15480;
	s30 =	simm.s32 $0x15580;
	s31 =	simm.s32 $0x15680  }
0x5: {  	s16 =	simm.s32 $0x15980;
	s18 =	simm.s32 $0x15A80;
	s19 =	simm.s32 $0x15B80  }
0x6: {  	s15 =	simm.s32 $0x15C80;
	s0 =	sand.u32 $0x1, s0;
	s1 =	sshll.u32 s1, $0x1  }
0x7: {  	[smem:$0x7FF] =	sst s2;
	s6 =	sadd.s32 $0x51EE00, s8;
	s1 =	sor.u32 s0, s1  }
0x8: {  	s7 =	sadd.s32 $0x5BB200, s8;
	s0 =	ssub.s32 $0x2, s0;
	s3 =	smul.u32 $0x2710, s1  }
0x9: {  	_ =	strace $0x80000047;
	s5 =	smul.u32 $0x138800, s1;
	s10 =	sshrl.u32 s0, $0x1  }
0xa: {  	s12 =	smul.u32 $0x4E2, s1;
	s1 =	simm.s32 $0x15780;
	s0 =	ssub.s32 s0, s10  }
0xb: {  	s4 =	sshrl.u32 s3, $0x3;
	s3 =	sadd.s32 $0x4F7C00, s8;
	s25 =	sshrl.u32 s5, $0x3  }
.Ltmp0:
0xc: {  	s0 =	smax.u32 s0, $0x1;
	s9 =	sadd.s32 s4, s8;
	(pc) =	sbr.rel .LBB2_1-.Ltmp0, $4  }
0xd: {  	s4 =	sadd.s32 $0x2200, s8;
	[dreg:$0x5] =	wrdreg s0;
	s11 =	sadd.s32 $0x4E4200, s9  }
0xe: {  	s8 =	sadd.s32 $0x657600, s8;
	s9 =	sadd.s32 $0x4EDE40, s9;
	[dreg:$0x2] =	wrdreg s11  }
0xf: {  	s0 =	simm.s32 $0x15880;
	s26 =	sadd.s32 s4, s25;
	[dreg:$0x3] =	wrdreg s9  }
0x10: {  	[dreg:$0x4] =	wrdreg s26;
	s26 =	simm.s32 $0x15280;
	s11 =	simm.s32 $0x0  }
.LBB2_16:
0x11: {  	s9 =	simm.s32 $0x3  }
0x12: {  	_ =	swait.ge [sflag:s9], $0x500  }
0x13: {  	[sflag:s9] =	ssyncset.done $0x0  }
0x14: {  	[sflag:s9] =	ssyncadd.s32 $0xFFFFFB00  }
0x15: {  	_ =	swait.ge [sflag:s9], $0x500  }
0x16: {  	[sflag:s9] =	ssyncset.done $0x0  }
0x17: {  	[sflag:s9] =	ssyncadd.s32 $0xFFFFFB00  }
0x18: {  	_ =	swait.ge [sflag:s9], $0x500  }
0x19: {  	[sflag:s9] =	ssyncset.done $0x0  }
0x1a: {  	s10 =	simm.s32 $0x4;
	[sflag:s9] =	ssyncadd.s32 $0xFFFFFB00  }
0x1b: {  	_ =	swait.ge [sflag:s10], $0x500  }
0x1c: {  	[sflag:s10] =	ssyncset.done $0x0  }
0x1d: {  	[sflag:s10] =	ssyncadd.s32 $0xFFFFFB00  }
0x1e: {  	_ =	swait.ge [sflag:s10], $0x500  }
0x1f: {  	[sflag:s10] =	ssyncset.done $0x0  }
0x20: {  	[sflag:s10] =	ssyncadd.s32 $0xFFFFFB00  }
0x21: {  	_ =	swait.ge [sflag:s10], $0x500  }
0x22: {  	s11 =	rddreg [dreg:$0x6]  }
0x23: {  	s25 =	rddreg [dreg:$0x5];
	s11 =	sadd.s32 $0x1, s11  }
0x24: {  	p0 =	sne.s32 s11, s25  }
.Ltmp1:
0x25: {  	_ = 	snop;
	(pc) =	sbr.rel @!p0 .LBB2_17-.Ltmp1, $3  }
0x26: {  	_ =	sdelay $0x1  }
0x27: {  	[sflag:s10] =	ssyncset.done $0x0  }
0x28: {  	[sflag:s10] =	ssyncadd.s32 $0xFFFFFB00  }
.LBB2_1:
0x29: {  	[dreg:$0x6] =	wrdreg s11  }
0x2a: {  	s9 =	rddreg [dreg:$0x2];
	s10 =	simm.s32 $0x5  }
0x2b: {  	[tilespmem:s2], [sflag:$0x5] =	stream.linear.gather [hbm4b:s9+s2], $0x2710, $0x38;
	[tilespmem:$0x15D00] =	vst v63  }
0x2c: {  	_ =	swait.ge [sflag:s10], $0x2710  }
0x2d: {  	[sflag:s10] =	ssyncset.done $0x0  }
0x2e: {  	s17 =	simm.s32 $0x2780;
	s14 =	rddreg [dreg:$0x3];
	[sflag:s10] =	ssyncadd.s32 $0xFFFFD8F0  }
0x2f: {  	[tilespmem:s17], [sflag:$0x5] =	stream.linear.gather [hbm4b:s14+s2], $0x2710, $0x38;
	[tilespmem:$0x15D00] =	vst v63  }
0x30: {  	_ =	swait.ge [sflag:s10], $0x2710  }
0x31: {  	[sflag:s10] =	ssyncset.done $0x0  }
0x32: {  	s22 =	simm.s32 $0xEF00;
	s21 =	rddreg [dreg:$0x4];
	[sflag:s10] =	ssyncadd.s32 $0xFFFFD8F0  }
0x33: {  	[tilespmem:s22], [sflag:$0x1] =	stream.linear.gather [hbm4b:s21+s2], $0x2800, $0x38;
	[tilespmem:$0x15D00] =	vst v63  }
.Ltmp2:
0x34: {  	s23 =	simm.s32 $0x50;
	s24 =	simm.s32 $0x4F00;
	(pc) =	sbr.rel .LBB2_2-.Ltmp2, $4  }
0x35: {  	[tilespmem:s24], [sflag:$0x1] =	stream.indirect.gather [hbm4b:s3+s23], $0x80, s2, s23, $0xb8;
	[tilespmem:$0x15D00] =	vst v63  }
0x36: {  	s25 =	simm.s32 $0x9F00  }
0x37: {  	[tilespmem:s25], [sflag:$0x1] =	stream.indirect.gather [hbm4b:s3+s23], $0x80, s17, s23, $0xb8;
	[tilespmem:$0x15D00] =	vst v63  }
0x38: {  	p0 =	por $0x0, $0x0;
	s17 =	simm.s32 $0x0  }
.LBB2_15:
0x39: {  	p1 =	sne.s32 s9, $0x7D  }
.Ltmp3:
0x3a: {  	_ = 	snop;
	(pc) =	sbr.rel @!p1 .LBB2_16-.Ltmp3, $2  }
0x3b: {  	_ =	sdelay $0x2  }
0x3c: {  	p0 =	por !p0, !p0;
	s17 =	smov.u32 s9  }
.LBB2_2:
0x3d: {  	p1 =	seq.s32 s17, $0x7C  }
.Ltmp4:
0x3e: {  	_ = 	snop;
	(pc) =	sbr.rel @p1 .LBB2_3-.Ltmp4, $2  }
0x3f: {  	_ =	sdelay $0x2  }
0x40: {  	s9 =	sadd.s32 $0x1, s17  }
0x41: {  	s10 =	smul.u32 $0x2800, s9;
	_ =	sdelay $0x1  }
0x42: {  	s11 =	sand.u32 $0x1, s17;
	s10 =	sadd.s32 s5, s10  }
0x43: {  	s13 =	smul.u32 $0x50, s9;
	p3 =	seq.s32 s11, $0x1;
	s10 =	sshrl.u32 s10, $0x3  }
0x44: {  	s14 =	simm.s32 @p3 $0x0;
	s21 =	simm.s32 @p3 $0xEF00;
	s10 =	sadd.s32 s4, s10  }
0x45: {  	[tilespmem:s21], [sflag:$0x1] =	stream.linear.gather @p3 [hbm4b:s10+s14], $0x2800, $0x38;
	[tilespmem:$0x15D00] =	vst v63  }
0x46: {  	s14 =	simm.s32 @p3 $0x50;
	s21 =	simm.s32 @p3 $0x4F00  }
0x47: {  	[tilespmem:s21], [sflag:$0x1] =	stream.indirect.gather @p3 [hbm4b:s3+s14], $0x80, s13, s14, $0xb8;
	[tilespmem:$0x15D00] =	vst v63  }
0x48: {  	s22 =	simm.s32 @p3 $0x9F00;
	s21 =	sadd.s32 $0x2780, s13  }
0x49: {  	[tilespmem:s22], [sflag:$0x1] =	stream.indirect.gather @p3 [hbm4b:s3+s14], $0x80, s21, s14, $0xb8;
	[tilespmem:$0x15D00] =	vst v63  }
0x4a: {  	p1 =	sne.s32 s11, $0x0;
	s14 =	simm.s32 @!p3 $0x0;
	s22 =	simm.s32 @!p3 $0x11700  }
0x4b: {  	[tilespmem:s22], [sflag:$0x2] =	stream.linear.gather @!p3 [hbm4b:s10+s14], $0x2800, $0x38;
	[tilespmem:$0x15D00] =	vst v63  }
.Ltmp5:
0x4c: {  	_ = 	snop;
	(pc) =	sbr.rel @p1 .LBB2_6-.Ltmp5, $4  }
0x4d: {  	s10 =	simm.s32 @!p3 $0x50;
	s14 =	simm.s32 @!p3 $0x7700  }
0x4e: {  	[tilespmem:s14], [sflag:$0x2] =	stream.indirect.gather @!p3 [hbm4b:s3+s10], $0x80, s13, s10, $0xb8;
	[tilespmem:$0x15D00] =	vst v63  }
0x4f: {  	s13 =	simm.s32 @!p3 $0xC700  }
0x50: {  	[tilespmem:s13], [sflag:$0x2] =	stream.indirect.gather @!p3 [hbm4b:s3+s10], $0x80, s21, s10, $0xb8;
	[tilespmem:$0x15D00] =	vst v63  }
0x51: {  	_ =	swait.ge [sflag:s20], $0x2800  }
0x52: {  	[sflag:s20] =	ssyncset.done $0x0  }
0x53: {  	[sflag:s20] =	ssyncadd.s32 $0xFFFFD800  }
0x54: {  	_ =	swait.ge [sflag:s20], $0x2800  }
.Ltmp6:
0x55: {  	[sflag:s20] =	ssyncset.done $0x0;
	(pc) =	sbr.rel @p3 .LBB2_7-.Ltmp6, $4  }
.Ltmp7:
0x56: {  	[sflag:s20] =	ssyncadd.s32 $0xFFFFD800;
	(pc) =	sbr.rel @!p3 .LBB2_8-.Ltmp7, $4  }
0x57: {  	_ =	swait.ge [sflag:s20], $0x2800  }
0x58: {  	p1 =	por $0x0, $0x0;
	[sflag:s20] =	ssyncset.done $0x0  }
0x59: {  	p2 =	por $0x1, $0x1;
	s10 =	simm.s32 $0x2;
	[sflag:s20] =	ssyncadd.s32 $0xFFFFD800  }
0x5a: {  	_ = 	snop  }
.LBB2_3:
0x5b: {  	p2 =	por $0x1, $0x1;
	s10 =	simm.s32 $0x1  }
.LBB2_7:
0x5c: {  	_ =	swait.ge [sflag:s10], $0x2800  }
0x5d: {  	[sflag:s10] =	ssyncset.done $0x0  }
0x5e: {  	[sflag:s10] =	ssyncadd.s32 $0xFFFFD800  }
0x5f: {  	_ =	swait.ge [sflag:s10], $0x2800  }
0x60: {  	[sflag:s10] =	ssyncset.done $0x0  }
0x61: {  	[sflag:s10] =	ssyncadd.s32 $0xFFFFD800  }
0x62: {  	_ =	swait.ge [sflag:s10], $0x2800  }
0x63: {  	[sflag:s10] =	ssyncset.done $0x0  }
0x64: {  	p1 =	sne.s32 s17, $0x7C;
	[sflag:s10] =	ssyncadd.s32 $0xFFFFD800  }
.LBB2_8:
0x65: {  	p3 =	slt.u32 s17, $0x2  }
0x66: {  	p4 =	por !p2, p3  }
0x67: {  	s10 =	simm.s32 @!p4 $0x3  }
0x68: {  	_ =	swait.ge @!p4 [sflag:s10], $0x500  }
0x69: {  	[sflag:s10] =	ssyncset.done @!p4 $0x0  }
0x6a: {  	[sflag:s10] =	ssyncadd.s32 @!p4 $0xFFFFFB00  }
0x6b: {  	_ =	swait.ge @!p4 [sflag:s10], $0x500  }
0x6c: {  	[sflag:s10] =	ssyncset.done @!p4 $0x0  }
0x6d: {  	[sflag:s10] =	ssyncadd.s32 @!p4 $0xFFFFFB00  }
0x6e: {  	p5 =	por !p1, !p1;
	_ =	swait.ge @!p4 [sflag:s10], $0x500  }
0x6f: {  	p3 =	por p3, p5;
	[sflag:s10] =	ssyncset.done @!p4 $0x0  }
0x70: {  	[sflag:s10] =	ssyncadd.s32 @!p4 $0xFFFFFB00;
	s10 =	simm.s32 @!p3 $0x4  }
0x71: {  	_ =	swait.ge @!p3 [sflag:s10], $0x500  }
0x72: {  	[sflag:s10] =	ssyncset.done @!p3 $0x0  }
0x73: {  	[sflag:s10] =	ssyncadd.s32 @!p3 $0xFFFFFB00  }
0x74: {  	_ =	swait.ge @!p3 [sflag:s10], $0x500  }
0x75: {  	[sflag:s10] =	ssyncset.done @!p3 $0x0  }
0x76: {  	[sflag:s10] =	ssyncadd.s32 @!p3 $0xFFFFFB00  }
0x77: {  	_ =	swait.ge @!p3 [sflag:s10], $0x500  }
0x78: {  	[sflag:s10] =	ssyncset.done @!p3 $0x0  }
0x79: {  	[sflag:s10] =	ssyncadd.s32 @!p3 $0xFFFFFB00  }
.LBB2_9:
0x7a: {  	s13 =	simm.s32 $0x1  }
0x7b: {  	s13 =	simm.s32 @!p0 $0x0  }
0x7c: {  	s10 =	smul.u32 $0xA000, s13;
	_ =	sdelay $0x1  }
0x7d: {  	s14 =	sshrl.u32 s10, $0x2  }
0x7e: {  	s10 =	sadd.s32 $0x5100, s14  }
0x7f: {  	s11 =	sadd.s32 $0xA120, s14;
	v1 =	vld [tilespmem:s10+$0xFFFFFE00]  }
0x80: {  	s21 =	sshll.u32 s13, $0x7;
	v2 =	vld [tilespmem:s11+$0xFFFFFE00]  }
0x81: {  	s13 =	sor.u32 $0x13F40, s21  }
0x82: {  	v0 =	vmov s13;
	_ =	sdelay $0x2  }
0x83: {  	v1 =	vadd.f32 v2, v1  }
0x84: {  	s13 =	simm.s32 $0x0  }
0x85: {  	[tilespmem:v0+s13+$0xFFFFFFC0 ss:$0x1] =	vst.idx.msk $0xffff, v1  }
0x86: {  	v1 =	vld [tilespmem:s10+$0xFFFFFE10]  }
0x87: {  	v2 =	vld [tilespmem:s11+$0xFFFFFE10];
	_ =	sdelay $0x4  }
0x88: {  	v1 =	vadd.f32 v2, v1;
	_ =	sdelay $0x1  }
0x89: {  	s22 =	sor.u32 $0x15340, s21;
	s14 =	sadd.s32 $0xF100, s14;
	[tilespmem:v0+s13+$0xFFFFFFD0 ss:$0x1] =	vst.idx.msk $0xffff, v1  }
0x8a: {  	v1 =	vmov s22;
	v2 =	vld [tilespmem:s14+$0xFFFFFE00];
	_ =	sdelay $0x4  }
0x8b: {  	[tilespmem:v1+s13+$0xFFFFFFC0 ss:$0x1] =	vst.idx.msk $0xffff, v2  }
0x8c: {  	v2 =	vld [tilespmem:s10+$0xFFFFFE80]  }
0x8d: {  	v3 =	vld [tilespmem:s11+$0xFFFFFE80];
	_ =	sdelay $0x4  }
0x8e: {  	v2 =	vadd.f32 v3, v2;
	_ =	sdelay $0x1  }
0x8f: {  	[tilespmem:v0+s13+$0xFFFFFFE0 ss:$0x1] =	vst.idx.msk $0xffff, v2  }
0x90: {  	v2 =	vld [tilespmem:s10+$0xFFFFFE90]  }
0x91: {  	v3 =	vld [tilespmem:s11+$0xFFFFFE90];
	_ =	sdelay $0x4  }
0x92: {  	v2 =	vadd.f32 v3, v2;
	_ =	sdelay $0x1  }
0x93: {  	[tilespmem:v0+s13+$0xFFFFFFF0 ss:$0x1] =	vst.idx.msk $0xffff, v2  }
0x94: {  	v2 =	vld [tilespmem:s14+$0xFFFFFE80];
	_ =	sdelay $0x4  }
0x95: {  	[tilespmem:v1+s13+$0xFFFFFFD0 ss:$0x1] =	vst.idx.msk $0xffff, v2  }
0x96: {  	v2 =	vld [tilespmem:s10+$0xFFFFFF00]  }
0x97: {  	v3 =	vld [tilespmem:s11+$0xFFFFFF00];
	_ =	sdelay $0x4  }
0x98: {  	v2 =	vadd.f32 v3, v2;
	_ =	sdelay $0x1  }
0x99: {  	[tilespmem:v0+s13+$0x0 ss:$0x1] =	vst.idx.msk $0xffff, v2  }
0x9a: {  	v2 =	vld [tilespmem:s10+$0xFFFFFF10]  }
0x9b: {  	v3 =	vld [tilespmem:s11+$0xFFFFFF10];
	_ =	sdelay $0x4  }
0x9c: {  	v2 =	vadd.f32 v3, v2;
	_ =	sdelay $0x1  }
0x9d: {  	[tilespmem:v0+s13+$0x10 ss:$0x1] =	vst.idx.msk $0xffff, v2  }
0x9e: {  	v2 =	vld [tilespmem:s14+$0xFFFFFF00];
	_ =	sdelay $0x4  }
0x9f: {  	[tilespmem:v1+s13+$0xFFFFFFE0 ss:$0x1] =	vst.idx.msk $0xffff, v2  }
0xa0: {  	v2 =	vld [tilespmem:s10+$0xFFFFFF80]  }
0xa1: {  	v3 =	vld [tilespmem:s11+$0xFFFFFF80];
	_ =	sdelay $0x4  }
0xa2: {  	v2 =	vadd.f32 v3, v2;
	_ =	sdelay $0x1  }
0xa3: {  	[tilespmem:v0+s13+$0x20 ss:$0x1] =	vst.idx.msk $0xffff, v2  }
0xa4: {  	v2 =	vld [tilespmem:s10+$0xFFFFFF90]  }
0xa5: {  	v3 =	vld [tilespmem:s11+$0xFFFFFF90];
	_ =	sdelay $0x4  }
0xa6: {  	v2 =	vadd.f32 v3, v2;
	_ =	sdelay $0x1  }
0xa7: {  	[tilespmem:v0+s13+$0x30 ss:$0x1] =	vst.idx.msk $0xffff, v2  }
0xa8: {  	v2 =	vld [tilespmem:s14+$0xFFFFFF80];
	_ =	sdelay $0x4  }
0xa9: {  	[tilespmem:v1+s13+$0xFFFFFFF0 ss:$0x1] =	vst.idx.msk $0xffff, v2  }
0xaa: {  	v3 =	vld [tilespmem:s10+$0x0]  }
0xab: {  	v4 =	vld [tilespmem:s11+$0x0]  }
0xac: {  	s21 =	sor.u32 $0x14940, s21  }
0xad: {  	v2 =	vmov s21;
	_ =	sdelay $0x2  }
0xae: {  	v3 =	vadd.f32 v4, v3;
	_ =	sdelay $0x1  }
0xaf: {  	[tilespmem:v2+s13+$0xFFFFFFC0 ss:$0x1] =	vst.idx.msk $0xffff, v3  }
0xb0: {  	v3 =	vld [tilespmem:s10+$0x10]  }
0xb1: {  	v4 =	vld [tilespmem:s11+$0x10];
	_ =	sdelay $0x4  }
0xb2: {  	v3 =	vadd.f32 v4, v3;
	_ =	sdelay $0x1  }
0xb3: {  	[tilespmem:v2+s13+$0xFFFFFFD0 ss:$0x1] =	vst.idx.msk $0xffff, v3  }
0xb4: {  	v3 =	vld [tilespmem:s14+$0x0];
	_ =	sdelay $0x4  }
0xb5: {  	[tilespmem:v1+s13+$0x0 ss:$0x1] =	vst.idx.msk $0xffff, v3  }
0xb6: {  	v3 =	vld [tilespmem:s10+$0x80]  }
0xb7: {  	v4 =	vld [tilespmem:s11+$0x80];
	_ =	sdelay $0x4  }
0xb8: {  	v3 =	vadd.f32 v4, v3;
	_ =	sdelay $0x1  }
0xb9: {  	[tilespmem:v2+s13+$0xFFFFFFE0 ss:$0x1] =	vst.idx.msk $0xffff, v3  }
0xba: {  	v3 =	vld [tilespmem:s10+$0x90]  }
0xbb: {  	v4 =	vld [tilespmem:s11+$0x90];
	_ =	sdelay $0x4  }
0xbc: {  	v3 =	vadd.f32 v4, v3;
	_ =	sdelay $0x1  }
0xbd: {  	[tilespmem:v2+s13+$0xFFFFFFF0 ss:$0x1] =	vst.idx.msk $0xffff, v3  }
0xbe: {  	v3 =	vld [tilespmem:s14+$0x80];
	_ =	sdelay $0x4  }
0xbf: {  	[tilespmem:v1+s13+$0x10 ss:$0x1] =	vst.idx.msk $0xffff, v3  }
0xc0: {  	v3 =	vld [tilespmem:s10+$0x100]  }
0xc1: {  	v4 =	vld [tilespmem:s11+$0x100];
	_ =	sdelay $0x4  }
0xc2: {  	v3 =	vadd.f32 v4, v3;
	_ =	sdelay $0x1  }
0xc3: {  	[tilespmem:v2+s13+$0x0 ss:$0x1] =	vst.idx.msk $0xffff, v3  }
0xc4: {  	v3 =	vld [tilespmem:s10+$0x110]  }
0xc5: {  	v4 =	vld [tilespmem:s11+$0x110];
	_ =	sdelay $0x4  }
0xc6: {  	v3 =	vadd.f32 v4, v3;
	_ =	sdelay $0x1  }
0xc7: {  	[tilespmem:v2+s13+$0x10 ss:$0x1] =	vst.idx.msk $0xffff, v3  }
0xc8: {  	v3 =	vld [tilespmem:s14+$0x100];
	_ =	sdelay $0x4  }
0xc9: {  	[tilespmem:v1+s13+$0x20 ss:$0x1] =	vst.idx.msk $0xffff, v3  }
0xca: {  	v3 =	vld [tilespmem:s10+$0x180]  }
0xcb: {  	v4 =	vld [tilespmem:s11+$0x180];
	_ =	sdelay $0x3  }
0xcc: {  	s23 =	smov.u32 s10  }
0xcd: {  	s24 =	smov.u32 s11;
	s22 =	simm.s32 $0x400;
	s21 =	smov.u32 s14;
	v3 =	vadd.f32 v4, v3  }
.LBB2_10:
0xce: {  	s10 =	sadd.s32 $0x400, s10  }
0xcf: {  	s14 =	sadd.s32 $0x400, s14;
	s11 =	sadd.s32 $0x400, s11;
	s25 =	smov.u32 s22;
	[tilespmem:v2+s13+$0x20 ss:$0x1] =	vst.idx.msk $0xffff, v3  }
0xd0: {  	p3 =	sne.s32 s22, $0x2400;
	s22 =	sadd.s32 $0x400, s22;
	v3 =	vld [tilespmem:s23+$0x190];
	s23 =	smov.u32 s10  }
0xd1: {  	v4 =	vld [tilespmem:s24+$0x190];
	s24 =	smov.u32 s11;
	_ =	sdelay $0x4  }
0xd2: {  	v3 =	vadd.f32 v4, v3;
	_ =	sdelay $0x1  }
0xd3: {  	[tilespmem:v2+s13+$0x30 ss:$0x1] =	vst.idx.msk $0xffff, v3  }
0xd4: {  	v3 =	vld [tilespmem:s21+$0x180];
	s21 =	smov.u32 s14;
	_ =	sdelay $0x4  }
0xd5: {  	[tilespmem:v1+s13+$0x30 ss:$0x1] =	vst.idx.msk $0xffff, v3  }
0xd6: {  	v3 =	vld [tilespmem:s10+$0xFFFFFE00]  }
0xd7: {  	v4 =	vld [tilespmem:s11+$0xFFFFFE00];
	_ =	sdelay $0x4  }
0xd8: {  	v3 =	vadd.f32 v4, v3  }
0xd9: {  	s13 =	sshra.s32 s25, $0x2  }
0xda: {  	[tilespmem:v0+s13+$0xFFFFFFC0 ss:$0x1] =	vst.idx.msk $0xffff, v3  }
0xdb: {  	v3 =	vld [tilespmem:s10+$0xFFFFFE10]  }
0xdc: {  	v4 =	vld [tilespmem:s11+$0xFFFFFE10];
	_ =	sdelay $0x4  }
0xdd: {  	v3 =	vadd.f32 v4, v3;
	_ =	sdelay $0x1  }
0xde: {  	[tilespmem:v0+s13+$0xFFFFFFD0 ss:$0x1] =	vst.idx.msk $0xffff, v3  }
0xdf: {  	v3 =	vld [tilespmem:s14+$0xFFFFFE00];
	_ =	sdelay $0x4  }
0xe0: {  	[tilespmem:v1+s13+$0xFFFFFFC0 ss:$0x1] =	vst.idx.msk $0xffff, v3  }
0xe1: {  	v3 =	vld [tilespmem:s10+$0xFFFFFE80]  }
0xe2: {  	v4 =	vld [tilespmem:s11+$0xFFFFFE80];
	_ =	sdelay $0x4  }
0xe3: {  	v3 =	vadd.f32 v4, v3;
	_ =	sdelay $0x1  }
0xe4: {  	[tilespmem:v0+s13+$0xFFFFFFE0 ss:$0x1] =	vst.idx.msk $0xffff, v3  }
0xe5: {  	v3 =	vld [tilespmem:s10+$0xFFFFFE90]  }
0xe6: {  	v4 =	vld [tilespmem:s11+$0xFFFFFE90];
	_ =	sdelay $0x4  }
0xe7: {  	v3 =	vadd.f32 v4, v3;
	_ =	sdelay $0x1  }
0xe8: {  	[tilespmem:v0+s13+$0xFFFFFFF0 ss:$0x1] =	vst.idx.msk $0xffff, v3  }
0xe9: {  	v3 =	vld [tilespmem:s14+$0xFFFFFE80];
	_ =	sdelay $0x4  }
0xea: {  	[tilespmem:v1+s13+$0xFFFFFFD0 ss:$0x1] =	vst.idx.msk $0xffff, v3  }
0xeb: {  	v3 =	vld [tilespmem:s10+$0xFFFFFF00]  }
0xec: {  	v4 =	vld [tilespmem:s11+$0xFFFFFF00];
	_ =	sdelay $0x4  }
0xed: {  	v3 =	vadd.f32 v4, v3;
	_ =	sdelay $0x1  }
0xee: {  	[tilespmem:v0+s13+$0x0 ss:$0x1] =	vst.idx.msk $0xffff, v3  }
0xef: {  	v3 =	vld [tilespmem:s10+$0xFFFFFF10]  }
0xf0: {  	v4 =	vld [tilespmem:s11+$0xFFFFFF10];
	_ =	sdelay $0x4  }
0xf1: {  	v3 =	vadd.f32 v4, v3;
	_ =	sdelay $0x1  }
0xf2: {  	[tilespmem:v0+s13+$0x10 ss:$0x1] =	vst.idx.msk $0xffff, v3  }
0xf3: {  	v3 =	vld [tilespmem:s14+$0xFFFFFF00];
	_ =	sdelay $0x4  }
0xf4: {  	[tilespmem:v1+s13+$0xFFFFFFE0 ss:$0x1] =	vst.idx.msk $0xffff, v3  }
0xf5: {  	v3 =	vld [tilespmem:s10+$0xFFFFFF80]  }
0xf6: {  	v4 =	vld [tilespmem:s11+$0xFFFFFF80];
	_ =	sdelay $0x4  }
0xf7: {  	v3 =	vadd.f32 v4, v3;
	_ =	sdelay $0x1  }
0xf8: {  	[tilespmem:v0+s13+$0x20 ss:$0x1] =	vst.idx.msk $0xffff, v3  }
0xf9: {  	v3 =	vld [tilespmem:s10+$0xFFFFFF90]  }
0xfa: {  	v4 =	vld [tilespmem:s11+$0xFFFFFF90];
	_ =	sdelay $0x4  }
0xfb: {  	v3 =	vadd.f32 v4, v3;
	_ =	sdelay $0x1  }
0xfc: {  	[tilespmem:v0+s13+$0x30 ss:$0x1] =	vst.idx.msk $0xffff, v3  }
0xfd: {  	v3 =	vld [tilespmem:s14+$0xFFFFFF80];
	_ =	sdelay $0x4  }
0xfe: {  	[tilespmem:v1+s13+$0xFFFFFFF0 ss:$0x1] =	vst.idx.msk $0xffff, v3  }
0xff: {  	v3 =	vld [tilespmem:s10+$0x0]  }
0x100: {  	v4 =	vld [tilespmem:s11+$0x0];
	_ =	sdelay $0x4  }
0x101: {  	v3 =	vadd.f32 v4, v3;
	_ =	sdelay $0x1  }
0x102: {  	[tilespmem:v2+s13+$0xFFFFFFC0 ss:$0x1] =	vst.idx.msk $0xffff, v3  }
0x103: {  	v3 =	vld [tilespmem:s10+$0x10]  }
0x104: {  	v4 =	vld [tilespmem:s11+$0x10];
	_ =	sdelay $0x4  }
0x105: {  	v3 =	vadd.f32 v4, v3;
	_ =	sdelay $0x1  }
0x106: {  	[tilespmem:v2+s13+$0xFFFFFFD0 ss:$0x1] =	vst.idx.msk $0xffff, v3  }
0x107: {  	v3 =	vld [tilespmem:s14+$0x0];
	_ =	sdelay $0x4  }
0x108: {  	[tilespmem:v1+s13+$0x0 ss:$0x1] =	vst.idx.msk $0xffff, v3  }
0x109: {  	v3 =	vld [tilespmem:s10+$0x80]  }
0x10a: {  	v4 =	vld [tilespmem:s11+$0x80];
	_ =	sdelay $0x4  }
0x10b: {  	v3 =	vadd.f32 v4, v3;
	_ =	sdelay $0x1  }
0x10c: {  	[tilespmem:v2+s13+$0xFFFFFFE0 ss:$0x1] =	vst.idx.msk $0xffff, v3  }
0x10d: {  	v3 =	vld [tilespmem:s10+$0x90]  }
0x10e: {  	v4 =	vld [tilespmem:s11+$0x90];
	_ =	sdelay $0x4  }
0x10f: {  	v3 =	vadd.f32 v4, v3;
	_ =	sdelay $0x1  }
0x110: {  	[tilespmem:v2+s13+$0xFFFFFFF0 ss:$0x1] =	vst.idx.msk $0xffff, v3  }
0x111: {  	v3 =	vld [tilespmem:s14+$0x80];
	_ =	sdelay $0x4  }
0x112: {  	[tilespmem:v1+s13+$0x10 ss:$0x1] =	vst.idx.msk $0xffff, v3  }
0x113: {  	v3 =	vld [tilespmem:s10+$0x100]  }
0x114: {  	v4 =	vld [tilespmem:s11+$0x100];
	_ =	sdelay $0x4  }
0x115: {  	v3 =	vadd.f32 v4, v3;
	_ =	sdelay $0x1  }
0x116: {  	[tilespmem:v2+s13+$0x0 ss:$0x1] =	vst.idx.msk $0xffff, v3  }
0x117: {  	v3 =	vld [tilespmem:s10+$0x110]  }
0x118: {  	v4 =	vld [tilespmem:s11+$0x110];
	_ =	sdelay $0x4  }
0x119: {  	v3 =	vadd.f32 v4, v3;
	_ =	sdelay $0x1  }
0x11a: {  	[tilespmem:v2+s13+$0x10 ss:$0x1] =	vst.idx.msk $0xffff, v3  }
0x11b: {  	v3 =	vld [tilespmem:s14+$0x100];
	_ =	sdelay $0x4  }
0x11c: {  	[tilespmem:v1+s13+$0x20 ss:$0x1] =	vst.idx.msk $0xffff, v3  }
0x11d: {  	v3 =	vld [tilespmem:s10+$0x180]  }
0x11e: {  	v4 =	vld [tilespmem:s11+$0x180]  }
.Ltmp8:
0x11f: {  	(pc) =	sbr.rel @p3 .LBB2_10-.Ltmp8, $2  }
0x120: {  	_ =	sdelay $0x2  }
0x121: {  	v3 =	vadd.f32 v4, v3  }
0x122: {  	_ =	sdelay $0x3  }
0x123: {  	[tilespmem:v2+s13+$0x20 ss:$0x1] =	vst.idx.msk $0xffff, v3  }
0x124: {  	v0 =	vld [tilespmem:s23+$0x190]  }
0x125: {  	v3 =	vld [tilespmem:s24+$0x190];
	_ =	sdelay $0x4  }
0x126: {  	v0 =	vadd.f32 v3, v0;
	_ =	sdelay $0x1  }
0x127: {  	[tilespmem:v2+s13+$0x30 ss:$0x1] =	vst.idx.msk $0xffff, v0  }
0x128: {  	v0 =	vld [tilespmem:s21+$0x180]  }
.Ltmp9:
0x129: {  	_ = 	snop;
	(pc) =	sbr.rel @!p2 .LBB2_13-.Ltmp9, $3  }
0x12a: {  	_ = 	snop  }
0x12b: {  	s10 =	smul.u32 $0xA, s17;
	_ =	sdelay $0x1  }
0x12c: {  	s10 =	sadd.s32 s12, s10;
	[tilespmem:v1+s13+$0x30 ss:$0x1] =	vst.idx.msk $0xffff, v0  }
0x12d: {  	s11 =	sshll.u32 s10, $0x4  }
0x12e: {  	s14 =	simm.s32 $0x13F00;
	s13 =	sadd.s32 s6, s11  }
0x12f: {  	[hbm4b:s13+s2] =	stream.linear.scatter [tilespmem:s14], [sflag:$0x3], $0x80, $0x38;
	[tilespmem:$0x15D00] =	vst v63  }
0x130: {  	s17 =	simm.s32 $0x14000;
	s23 =	sadd.s32 $0x10, s13  }
0x131: {  	[hbm4b:s23+s2] =	stream.linear.scatter [tilespmem:s17], [sflag:$0x3], $0x80, $0x38;
	[tilespmem:$0x15D00] =	vst v63  }
0x132: {  	s25 =	simm.s32 $0x14100;
	s24 =	sadd.s32 $0x20, s13  }
0x133: {  	[hbm4b:s24+s2] =	stream.linear.scatter [tilespmem:s25], [sflag:$0x3], $0x80, $0x38;
	[tilespmem:$0x15D00] =	vst v63  }
0x134: {  	s21 =	simm.s32 $0x14200;
	s17 =	sadd.s32 $0x30, s13  }
0x135: {  	[hbm4b:s17+s2] =	stream.linear.scatter [tilespmem:s21], [sflag:$0x3], $0x80, $0x38;
	[tilespmem:$0x15D00] =	vst v63  }
0x136: {  	s22 =	sadd.s32 $0x40, s13;
	s23 =	simm.s32 $0x14300  }
0x137: {  	[hbm4b:s22+s2] =	stream.linear.scatter [tilespmem:s23], [sflag:$0x3], $0x80, $0x38;
	[tilespmem:$0x15D00] =	vst v63  }
0x138: {  	s24 =	sadd.s32 $0x50, s13;
	s25 =	simm.s32 $0x14400  }
0x139: {  	[hbm4b:s24+s2] =	stream.linear.scatter [tilespmem:s25], [sflag:$0x3], $0x80, $0x38;
	[tilespmem:$0x15D00] =	vst v63  }
0x13a: {  	s17 =	sadd.s32 $0x60, s13;
	s21 =	simm.s32 $0x14500  }
0x13b: {  	[hbm4b:s17+s2] =	stream.linear.scatter [tilespmem:s21], [sflag:$0x3], $0x80, $0x38;
	[tilespmem:$0x15D00] =	vst v63  }
0x13c: {  	s22 =	sadd.s32 $0x70, s13;
	s23 =	simm.s32 $0x14600  }
0x13d: {  	[hbm4b:s22+s2] =	stream.linear.scatter [tilespmem:s23], [sflag:$0x3], $0x80, $0x38;
	[tilespmem:$0x15D00] =	vst v63  }
0x13e: {  	s24 =	sadd.s32 $0x80, s13;
	s25 =	simm.s32 $0x14700  }
0x13f: {  	[hbm4b:s24+s2] =	stream.linear.scatter [tilespmem:s25], [sflag:$0x3], $0x80, $0x38;
	[tilespmem:$0x15D00] =	vst v63  }
0x140: {  	s13 =	sadd.s32 $0x90, s13;
	s17 =	simm.s32 $0x14800  }
0x141: {  	[hbm4b:s13+s2] =	stream.linear.scatter [tilespmem:s17], [sflag:$0x3], $0x80, $0x38;
	[tilespmem:$0x15D00] =	vst v63  }
0x142: {  	s21 =	simm.s32 $0x14900;
	s13 =	sadd.s32 s7, s11  }
0x143: {  	[hbm4b:s13+s2] =	stream.linear.scatter [tilespmem:s21], [sflag:$0x3], $0x80, $0x38;
	[tilespmem:$0x15D00] =	vst v63  }
0x144: {  	s23 =	simm.s32 $0x14A00;
	s22 =	sadd.s32 $0x10, s13  }
0x145: {  	[hbm4b:s22+s2] =	stream.linear.scatter [tilespmem:s23], [sflag:$0x3], $0x80, $0x38;
	[tilespmem:$0x15D00] =	vst v63  }
0x146: {  	s25 =	simm.s32 $0x14B00;
	s24 =	sadd.s32 $0x20, s13  }
0x147: {  	[hbm4b:s24+s2] =	stream.linear.scatter [tilespmem:s25], [sflag:$0x3], $0x80, $0x38;
	[tilespmem:$0x15D00] =	vst v63  }
0x148: {  	s17 =	sadd.s32 $0x30, s13;
	s21 =	simm.s32 $0x14C00  }
0x149: {  	[hbm4b:s17+s2] =	stream.linear.scatter [tilespmem:s21], [sflag:$0x3], $0x80, $0x38;
	[tilespmem:$0x15D00] =	vst v63  }
0x14a: {  	s22 =	sadd.s32 $0x40, s13;
	s23 =	simm.s32 $0x14D00  }
0x14b: {  	[hbm4b:s22+s2] =	stream.linear.scatter [tilespmem:s23], [sflag:$0x3], $0x80, $0x38;
	[tilespmem:$0x15D00] =	vst v63  }
0x14c: {  	s24 =	sadd.s32 $0x50, s13;
	s25 =	simm.s32 $0x14E00  }
0x14d: {  	[hbm4b:s24+s2] =	stream.linear.scatter [tilespmem:s25], [sflag:$0x3], $0x80, $0x38;
	[tilespmem:$0x15D00] =	vst v63  }
0x14e: {  	s17 =	sadd.s32 $0x60, s13;
	s21 =	simm.s32 $0x14F00  }
0x14f: {  	[hbm4b:s17+s2] =	stream.linear.scatter [tilespmem:s21], [sflag:$0x3], $0x80, $0x38;
	[tilespmem:$0x15D00] =	vst v63  }
0x150: {  	s22 =	sadd.s32 $0x70, s13;
	s23 =	simm.s32 $0x15000  }
0x151: {  	[hbm4b:s22+s2] =	stream.linear.scatter [tilespmem:s23], [sflag:$0x3], $0x80, $0x38;
	[tilespmem:$0x15D00] =	vst v63  }
0x152: {  	s24 =	sadd.s32 $0x80, s13;
	s25 =	simm.s32 $0x15100  }
0x153: {  	[hbm4b:s24+s2] =	stream.linear.scatter [tilespmem:s25], [sflag:$0x3], $0x80, $0x38;
	[tilespmem:$0x15D00] =	vst v63  }
0x154: {  	s13 =	sadd.s32 $0x90, s13;
	s17 =	simm.s32 $0x15200  }
0x155: {  	[hbm4b:s13+s2] =	stream.linear.scatter [tilespmem:s17], [sflag:$0x3], $0x80, $0x38;
	[tilespmem:$0x15D00] =	vst v63  }
0x156: {  	s11 =	sadd.s32 s8, s11;
	s21 =	simm.s32 $0x15300  }
0x157: {  	[hbm4b:s11+s2] =	stream.linear.scatter [tilespmem:s21], [sflag:$0x3], $0x80, $0x38;
	[tilespmem:$0x15D00] =	vst v63  }
0x158: {  	s22 =	sadd.s32 $0x10, s11;
	s23 =	simm.s32 $0x15400  }
0x159: {  	[hbm4b:s22+s2] =	stream.linear.scatter [tilespmem:s23], [sflag:$0x3], $0x80, $0x38;
	[tilespmem:$0x15D00] =	vst v63  }
0x15a: {  	s24 =	sadd.s32 $0x20, s11;
	s25 =	simm.s32 $0x15500  }
0x15b: {  	[hbm4b:s24+s2] =	stream.linear.scatter [tilespmem:s25], [sflag:$0x3], $0x80, $0x38;
	[tilespmem:$0x15D00] =	vst v63  }
0x15c: {  	s17 =	sadd.s32 $0x30, s11;
	s21 =	simm.s32 $0x15600  }
0x15d: {  	[hbm4b:s17+s2] =	stream.linear.scatter [tilespmem:s21], [sflag:$0x3], $0x80, $0x38;
	[tilespmem:$0x15D00] =	vst v63  }
0x15e: {  	s22 =	sadd.s32 $0x40, s11;
	s23 =	simm.s32 $0x15700  }
0x15f: {  	[hbm4b:s22+s2] =	stream.linear.scatter [tilespmem:s23], [sflag:$0x3], $0x80, $0x38;
	[tilespmem:$0x15D00] =	vst v63  }
0x160: {  	s24 =	sadd.s32 $0x50, s11;
	s25 =	simm.s32 $0x15800  }
0x161: {  	[hbm4b:s24+s2] =	stream.linear.scatter [tilespmem:s25], [sflag:$0x3], $0x80, $0x38;
	[tilespmem:$0x15D00] =	vst v63  }
0x162: {  	s14 =	sadd.s32 $0x60, s11;
	s17 =	simm.s32 $0x15900  }
0x163: {  	[hbm4b:s14+s2] =	stream.linear.scatter [tilespmem:s17], [sflag:$0x3], $0x80, $0x38;
	[tilespmem:$0x15D00] =	vst v63  }
0x164: {  	s21 =	sadd.s32 $0x70, s11;
	s22 =	simm.s32 $0x15A00  }
0x165: {  	[hbm4b:s21+s2] =	stream.linear.scatter [tilespmem:s22], [sflag:$0x3], $0x80, $0x38;
	[tilespmem:$0x15D00] =	vst v63  }
0x166: {  	s23 =	sadd.s32 $0x80, s11;
	s24 =	simm.s32 $0x15B00  }
0x167: {  	[hbm4b:s23+s2] =	stream.linear.scatter [tilespmem:s24], [sflag:$0x3], $0x80, $0x38;
	[tilespmem:$0x15D00] =	vst v63  }
0x168: {  	s11 =	sadd.s32 $0x90, s11;
	s25 =	simm.s32 $0x15C00  }
0x169: {  	[hbm4b:s11+s2] =	stream.linear.scatter [tilespmem:s25], [sflag:$0x3], $0x80, $0x38;
	[tilespmem:$0x15D00] =	vst v63  }
.LBB2_13:
.Ltmp10:
0x16a: {  	(pc) =	sbr.rel @!p1 .LBB2_15-.Ltmp10, $1  }
0x16b: {  	_ =	sdelay $0x3  }
0x16c: {  	s10 =	sshll.u32 s10, $0x4  }
0x16d: {  	s13 =	simm.s32 $0x13F80;
	s11 =	sadd.s32 s6, s10  }
0x16e: {  	[hbm4b:s11+s2] =	stream.linear.scatter [tilespmem:s13], [sflag:$0x4], $0x80, $0x38;
	[tilespmem:$0x15D00] =	vst v63  }
0x16f: {  	s14 =	simm.s32 $0x14080;
	s23 =	sadd.s32 $0x10, s11  }
0x170: {  	[hbm4b:s23+s2] =	stream.linear.scatter [tilespmem:s14], [sflag:$0x4], $0x80, $0x38;
	[tilespmem:$0x15D00] =	vst v63  }
0x171: {  	s25 =	simm.s32 $0x14180;
	s24 =	sadd.s32 $0x20, s11  }
0x172: {  	[hbm4b:s24+s2] =	stream.linear.scatter [tilespmem:s25], [sflag:$0x4], $0x80, $0x38;
	[tilespmem:$0x15D00] =	vst v63  }
0x173: {  	s21 =	simm.s32 $0x14280;
	s17 =	sadd.s32 $0x30, s11  }
0x174: {  	[hbm4b:s17+s2] =	stream.linear.scatter [tilespmem:s21], [sflag:$0x4], $0x80, $0x38;
	[tilespmem:$0x15D00] =	vst v63  }
0x175: {  	s22 =	sadd.s32 $0x40, s11;
	s23 =	simm.s32 $0x14380  }
0x176: {  	[hbm4b:s22+s2] =	stream.linear.scatter [tilespmem:s23], [sflag:$0x4], $0x80, $0x38;
	[tilespmem:$0x15D00] =	vst v63  }
0x177: {  	s24 =	sadd.s32 $0x50, s11;
	s25 =	simm.s32 $0x14480  }
0x178: {  	[hbm4b:s24+s2] =	stream.linear.scatter [tilespmem:s25], [sflag:$0x4], $0x80, $0x38;
	[tilespmem:$0x15D00] =	vst v63  }
0x179: {  	s17 =	sadd.s32 $0x60, s11;
	s21 =	simm.s32 $0x14580  }
0x17a: {  	[hbm4b:s17+s2] =	stream.linear.scatter [tilespmem:s21], [sflag:$0x4], $0x80, $0x38;
	[tilespmem:$0x15D00] =	vst v63  }
0x17b: {  	s22 =	sadd.s32 $0x70, s11;
	s23 =	simm.s32 $0x14680  }
0x17c: {  	[hbm4b:s22+s2] =	stream.linear.scatter [tilespmem:s23], [sflag:$0x4], $0x80, $0x38;
	[tilespmem:$0x15D00] =	vst v63  }
0x17d: {  	s24 =	sadd.s32 $0x80, s11;
	s25 =	simm.s32 $0x14780  }
0x17e: {  	[hbm4b:s24+s2] =	stream.linear.scatter [tilespmem:s25], [sflag:$0x4], $0x80, $0x38;
	[tilespmem:$0x15D00] =	vst v63  }
0x17f: {  	s11 =	sadd.s32 $0x90, s11;
	s17 =	simm.s32 $0x14880  }
0x180: {  	[hbm4b:s11+s2] =	stream.linear.scatter [tilespmem:s17], [sflag:$0x4], $0x80, $0x38;
	[tilespmem:$0x15D00] =	vst v63  }
0x181: {  	s21 =	simm.s32 $0x14980;
	s11 =	sadd.s32 s7, s10  }
0x182: {  	[hbm4b:s11+s2] =	stream.linear.scatter [tilespmem:s21], [sflag:$0x4], $0x80, $0x38;
	[tilespmem:$0x15D00] =	vst v63  }
0x183: {  	s23 =	simm.s32 $0x14A80;
	s22 =	sadd.s32 $0x10, s11  }
0x184: {  	[hbm4b:s22+s2] =	stream.linear.scatter [tilespmem:s23], [sflag:$0x4], $0x80, $0x38;
	[tilespmem:$0x15D00] =	vst v63  }
0x185: {  	s25 =	simm.s32 $0x14B80;
	s24 =	sadd.s32 $0x20, s11  }
0x186: {  	[hbm4b:s24+s2] =	stream.linear.scatter [tilespmem:s25], [sflag:$0x4], $0x80, $0x38;
	[tilespmem:$0x15D00] =	vst v63  }
0x187: {  	s17 =	sadd.s32 $0x30, s11;
	s21 =	simm.s32 $0x14C80  }
0x188: {  	[hbm4b:s17+s2] =	stream.linear.scatter [tilespmem:s21], [sflag:$0x4], $0x80, $0x38;
	[tilespmem:$0x15D00] =	vst v63  }
0x189: {  	s22 =	sadd.s32 $0x40, s11;
	s23 =	simm.s32 $0x14D80  }
0x18a: {  	[hbm4b:s22+s2] =	stream.linear.scatter [tilespmem:s23], [sflag:$0x4], $0x80, $0x38;
	[tilespmem:$0x15D00] =	vst v63  }
0x18b: {  	s24 =	sadd.s32 $0x50, s11;
	s25 =	simm.s32 $0x14E80  }
0x18c: {  	[hbm4b:s24+s2] =	stream.linear.scatter [tilespmem:s25], [sflag:$0x4], $0x80, $0x38;
	[tilespmem:$0x15D00] =	vst v63  }
0x18d: {  	s17 =	sadd.s32 $0x60, s11;
	s21 =	simm.s32 $0x14F80  }
0x18e: {  	[hbm4b:s17+s2] =	stream.linear.scatter [tilespmem:s21], [sflag:$0x4], $0x80, $0x38;
	[tilespmem:$0x15D00] =	vst v63  }
0x18f: {  	s22 =	sadd.s32 $0x70, s11;
	s23 =	simm.s32 $0x15080  }
0x190: {  	[hbm4b:s22+s2] =	stream.linear.scatter [tilespmem:s23], [sflag:$0x4], $0x80, $0x38;
	[tilespmem:$0x15D00] =	vst v63  }
0x191: {  	s24 =	sadd.s32 $0x80, s11;
	s25 =	simm.s32 $0x15180  }
0x192: {  	[hbm4b:s24+s2] =	stream.linear.scatter [tilespmem:s25], [sflag:$0x4], $0x80, $0x38;
	[tilespmem:$0x15D00] =	vst v63  }
0x193: {  	s11 =	sadd.s32 $0x90, s11  }
0x194: {  	[hbm4b:s11+s2] =	stream.linear.scatter [tilespmem:s26], [sflag:$0x4], $0x80, $0x38;
	[tilespmem:$0x15D00] =	vst v63  }
0x195: {  	s10 =	sadd.s32 s8, s10  }
0x196: {  	[hbm4b:s10+s2] =	stream.linear.scatter [tilespmem:s28], [sflag:$0x4], $0x80, $0x38;
	[tilespmem:$0x15D00] =	vst v63  }
0x197: {  	s13 =	sadd.s32 $0x10, s10  }
0x198: {  	[hbm4b:s13+s2] =	stream.linear.scatter [tilespmem:s29], [sflag:$0x4], $0x80, $0x38;
	[tilespmem:$0x15D00] =	vst v63  }
0x199: {  	s14 =	sadd.s32 $0x20, s10  }
0x19a: {  	[hbm4b:s14+s2] =	stream.linear.scatter [tilespmem:s30], [sflag:$0x4], $0x80, $0x38;
	[tilespmem:$0x15D00] =	vst v63  }
0x19b: {  	s17 =	sadd.s32 $0x30, s10  }
0x19c: {  	[hbm4b:s17+s2] =	stream.linear.scatter [tilespmem:s31], [sflag:$0x4], $0x80, $0x38;
	[tilespmem:$0x15D00] =	vst v63  }
0x19d: {  	s21 =	sadd.s32 $0x40, s10  }
0x19e: {  	[hbm4b:s21+s2] =	stream.linear.scatter [tilespmem:s1], [sflag:$0x4], $0x80, $0x38;
	[tilespmem:$0x15D00] =	vst v63  }
0x19f: {  	s22 =	sadd.s32 $0x50, s10  }
0x1a0: {  	[hbm4b:s22+s2] =	stream.linear.scatter [tilespmem:s0], [sflag:$0x4], $0x80, $0x38;
	[tilespmem:$0x15D00] =	vst v63  }
0x1a1: {  	s23 =	sadd.s32 $0x60, s10  }
0x1a2: {  	[hbm4b:s23+s2] =	stream.linear.scatter [tilespmem:s16], [sflag:$0x4], $0x80, $0x38;
	[tilespmem:$0x15D00] =	vst v63  }
0x1a3: {  	s24 =	sadd.s32 $0x70, s10  }
0x1a4: {  	[hbm4b:s24+s2] =	stream.linear.scatter [tilespmem:s18], [sflag:$0x4], $0x80, $0x38;
	[tilespmem:$0x15D00] =	vst v63  }
.Ltmp11:
0x1a5: {  	_ = 	snop;
	(pc) =	sbr.rel .LBB2_15-.Ltmp11, $4  }
0x1a6: {  	s25 =	sadd.s32 $0x80, s10  }
0x1a7: {  	[hbm4b:s25+s2] =	stream.linear.scatter [tilespmem:s19], [sflag:$0x4], $0x80, $0x38;
	[tilespmem:$0x15D00] =	vst v63  }
0x1a8: {  	s10 =	sadd.s32 $0x90, s10  }
0x1a9: {  	[hbm4b:s10+s2] =	stream.linear.scatter [tilespmem:s15], [sflag:$0x4], $0x80, $0x38;
	[tilespmem:$0x15D00] =	vst v63  }
.LBB2_6:
.Ltmp12:
0x1aa: {  	(pc) =	sbr.rel @!p3 .LBB2_9-.Ltmp12, $4  }
.Ltmp13:
0x1ab: {  	(pc) =	sbr.rel @p3 .LBB2_7-.Ltmp13, $4  }
0x1ac: {  	_ = 	snop  }
0x1ad: {  	_ = 	snop  }
0x1ae: {  	p2 =	por $0x0, $0x0;
	s10 =	simm.s32 $0x2;
	p1 =	por $0x0, $0x0  }
0x1af: {  	_ = 	snop  }
.LBB2_17:
0x1b0: {  	_ =	sfence.sel $0x180000  }
0x1b1: {  	[bflag:$0x0] =	sbarrier.arrive $0xFFFF  }
0x1b2: {  	_ =	strace $0x90000047  }
0x1b3: {  	s0 =	stileid.u32;
	[bflag:$0x2] =	sbarrier.arrive $0xFFFF  }
0x1b4: {  	p0 =	sne.s32 s0, $0x0;
	s0 =	rddreg [dreg:$0x1]  }
0x1b5: {  	s0 =	sadd.s32 @!p0 $0x100000, s0  }
0x1b6: {  	[sflag:s0] =	ssyncadd.tile.s32 @!p0 $0x1;
	_ =	shalt  }
.Lfunc_end2:
_tile_overlayer_lowered:
.L_overlay_start_2:
0x1b7: {  	(tag) =	ssettag $0x2  }
0x1b8: {  	s0 =	rddreg [dreg:$0x0];
	s2 =	stileid.u32  }
0x1b9: {  	s1 =	rddreg [dreg:$0x1];
	p0 =	sne.s32 s2, $0x0  }
0x1ba: {  	s3 =	rddreg [dreg:$0x2];
	[bflag:$0x3] =	sbarrier.arrive $0xFFFF;
	s2 =	simm.s32 @!p0 $0x1C05  }
0x1bb: {  	[timem:s3], [sflag:s2] =	dma.local @!p0 [hbm:s0], s1  }
0x1bc: {  	s0 =	simm.s32 @!p0 $0x5  }
0x1bd: {  	_ =	swait.ge @!p0 [sflag:s0], s1  }
0x1be: {  	s1 =	ssub.s32 @!p0 $0x0, s1;
	[sflag:s0] =	ssyncset.done @!p0 $0x0  }
0x1bf: {  	[sflag:s0] =	ssyncadd.s32 @!p0 s1  }
0x1c0: {  	[bflag:$0x3] =	sbarrier.arrive $0xFFFF  }
0x1c1: {  	_ =	shalt  }

</sc_bundles>
